<compile_context>
chip_gen: v7x
topology: tpu7x:2x2x1
jax: 0.10.2.dev20260603
libtpu: 0.0.44.dev20260713+nightly
codegen_flags: <defaults>
</compile_context>

<pallas_src>
import functools

import jax
import jax.numpy as jnp
from jax import lax
from jax.experimental import pallas as pl
from jax.experimental.pallas import tpu as pltpu
from jax.experimental.pallas import tpu_sc as plsc

NUM_TASKS = 3
PROMPT_LEN = 20
HIDDEN = 4096
BATCH = 1024

B_TC = 768
B_SC = BATCH - B_TC

NUM_CORES = 2
NUM_SUBCORES = 16
NUM_WORKERS = NUM_CORES * NUM_SUBCORES

B_PER_TILE = B_SC // NUM_WORKERS
BLOCK_B = 8


def _tc_main(task_ids, table):
    def body(ids_ref, table_ref, out_ref):
        b0 = pl.program_id(0) * BLOCK_B
        for i in range(BLOCK_B):
            tid = ids_ref[b0 + i]
            out_ref[i] = table_ref[tid]

    grid_spec = pltpu.PrefetchScalarGridSpec(
        num_scalar_prefetch=1,
        grid=(B_TC // BLOCK_B,),
        in_specs=[
            pl.BlockSpec((NUM_TASKS, PROMPT_LEN, HIDDEN),
                         lambda b, ids: (0, 0, 0)),
        ],
        out_specs=pl.BlockSpec((BLOCK_B, PROMPT_LEN, HIDDEN),
                               lambda b, ids: (b, 0, 0)),
    )
    return pl.pallas_call(
        body,
        grid_spec=grid_spec,
        out_shape=jax.ShapeDtypeStruct((BATCH, PROMPT_LEN, HIDDEN),
                                       jnp.float32),
    )(task_ids, table)


def _sc_part(ids_pad, table):
    mesh = plsc.VectorSubcoreMesh(core_axis_name="c", subcore_axis_name="s")

    @functools.partial(
        pl.kernel,
        out_type=jax.ShapeDtypeStruct((B_SC, PROMPT_LEN, HIDDEN), jnp.float32),
        mesh=mesh,
        scratch_types=[
            pltpu.VMEM((16,), jnp.int32),
            pltpu.VMEM_SHARED((NUM_TASKS, PROMPT_LEN, HIDDEN), jnp.float32),
            pltpu.SemaphoreType.DMA,
        ],
    )
    def run(idx_hbm, table_hbm, out_hbm, idx_v, sh_table, sem):
        c = lax.axis_index("c")
        s = lax.axis_index("s")
        wid = s * NUM_CORES + c
        base = wid * B_PER_TILE
        pltpu.sync_copy(idx_hbm.at[pl.ds(base, 16)], idx_v)

        @pl.when(s == 0)
        def _():
            pltpu.sync_copy(table_hbm, sh_table)

        plsc.subcore_barrier()
        vec = idx_v[pl.ds(0, 16)]
        for i in range(B_PER_TILE):
            tid = vec[i]
            pltpu.async_copy(sh_table.at[tid], out_hbm.at[base + i], sem)
        for _ in range(B_PER_TILE):
            pltpu.make_async_copy(
                sh_table.at[0], out_hbm.at[base], sem).wait()

    return run(ids_pad, table)


def _tc_merge(big, sc_part):
    def body(big_ref, sc_ref, out_ref):
        out_ref[...] = sc_ref[...]

    return pl.pallas_call(
        body,
        grid=(B_SC // BLOCK_B,),
        in_specs=[
            pl.BlockSpec(memory_space=pl.ANY),
            pl.BlockSpec((BLOCK_B, PROMPT_LEN, HIDDEN),
                         lambda b: (b, 0, 0)),
        ],
        out_specs=pl.BlockSpec((BLOCK_B, PROMPT_LEN, HIDDEN),
                               lambda b: (B_TC // BLOCK_B + b, 0, 0)),
        out_shape=jax.ShapeDtypeStruct((BATCH, PROMPT_LEN, HIDDEN),
                                       jnp.float32),
        input_output_aliases={0: 0},
    )(big, sc_part)


def kernel(task_ids, prompt_embeddings):
    ids = task_ids.astype(jnp.int32)
    ids_pad = jnp.concatenate(
        [ids[B_TC:], jnp.zeros((16,), jnp.int32)])
    big = _tc_main(ids, prompt_embeddings)
    sc_out = _sc_part(ids_pad, prompt_embeddings)
    return lax.dynamic_update_slice(big, sc_out, (B_TC, 0, 0))

# --- scband reference (transcript-rebuilt; emitter-appended) ---
"""Pipeline reference for scband-prompt-embedding-16621523435684 (READ-ONLY COPY).

The authoritative reference and input builder live on the scoring server;
editing this copy changes nothing except your own understanding.
"""

import jax, jax.numpy as jnp
import numpy as np

NUM_TASKS = 3
PROMPT_LENGTH = 20
HIDDEN_SIZE = 4096
BATCH = 1024

def setup_inputs(seed: int = 0) -> dict:
    key = jax.random.key(seed)
    k_idx, k_emb = jax.random.split(key)
    task_ids = jax.random.randint(k_idx, (BATCH,), 0, NUM_TASKS, dtype=jnp.int64 if jax.config.jax_enable_x64 else jnp.int32)
    prompt_embeddings = jax.random.normal(k_emb, (NUM_TASKS, PROMPT_LENGTH, HIDDEN_SIZE), dtype=jnp.float32) * 0.02
    return {"task_ids": task_ids, "prompt_embeddings": prompt_embeddings}

def reference(task_ids, prompt_embeddings):
    # PromptEmbedding.forward: self.prompt_embeddings[task_ids]
    return jnp.take(prompt_embeddings, task_ids, axis=0)

if __name__ == "__main__":
    import jax
    _d = setup_inputs()
    print(jax.jit(kernel)(*tuple(_d.values())))

</pallas_src>

<mosaic_0001>
#map = affine_map<(d0, d1) -> (0)>
#map1 = affine_map<(d0, d1) -> (0, 0, 0)>
module attributes {stable_mosaic.version = 14 : i64} {
  func.func @run(%arg0: i32, %arg1: i32, %arg2: memref<272xi32, #tpu.memory_space<hbm>>, %arg3: memref<3x20x4096xf32, #tpu.memory_space<hbm>>, %arg4: memref<256x20x4096xf32, #tpu.memory_space<hbm>>, %arg5: memref<16xi32, #tpu.memory_space<vmem>>, %arg6: memref<3x20x4096xf32, #tpu.memory_space<vmem_shared>>, %arg7: memref<!tpu.dma_semaphore, #tpu.memory_space<semaphore_mem>>) attributes {dimension_semantics = [#tpu.dimension_semantics<core_parallel>, #tpu.dimension_semantics<subcore_parallel>], iteration_bounds = array<i64: 2, 16>, scalar_prefetch = 0 : i64, scratch_operands = 3 : i64, tpu.core_type = #tpu.core_type<sc_vector_subcore>, window_params = [{transform_indices = #map}, {transform_indices = #map1}, {transform_indices = #map1}]} {
    %mul3A = arith.constant 2 : i32
    %mul3A_0 = arith.muli %arg1, %mul3A : i32
    %add3A = arith.addi %mul3A_0, %arg0 : i32
    %mul3A_1 = arith.constant 8 : i32
    %mul3A_2 = arith.muli %add3A, %mul3A_1 : i32
    "tpu.region"() ({
      %run_scoped3A = tpu.sem_alloc : memref<!tpu.dma_semaphore, #tpu.memory_space<semaphore_mem>>
      %dma_start3A_171 = tpu.memref_slice %arg2[%mul3A_2] : memref<272xi32, #tpu.memory_space<hbm>> -> memref<16xi32, #tpu.memory_space<hbm>>
      %dma_start3A_172 = tpu.memref_slice %arg2[%mul3A_2] : memref<272xi32, #tpu.memory_space<hbm>> -> memref<16xi32, #tpu.memory_space<hbm>>
      tpu.enqueue_dma source(%dma_start3A_172 : memref<16xi32, #tpu.memory_space<hbm>>) target(%arg5 : memref<16xi32, #tpu.memory_space<vmem>>) target_semaphore(%run_scoped3A : memref<!tpu.dma_semaphore, #tpu.memory_space<semaphore_mem>>)
      %dma_wait3A_173 = tpu.memref_slice %arg2[%mul3A_2] : memref<272xi32, #tpu.memory_space<hbm>> -> memref<16xi32, #tpu.memory_space<hbm>>
      %dma_wait3A_174 = tpu.memref_slice %arg2[%mul3A_2] : memref<272xi32, #tpu.memory_space<hbm>> -> memref<16xi32, #tpu.memory_space<hbm>>
      tpu.wait_dma2 semaphore(%run_scoped3A : memref<!tpu.dma_semaphore, #tpu.memory_space<semaphore_mem>>) src(%dma_wait3A_174 : memref<16xi32, #tpu.memory_space<hbm>>) dst(%arg5 : memref<16xi32, #tpu.memory_space<vmem>>)
      tpu.yield
    }) : () -> ()
    %eq3A = arith.constant 0 : i32
    %eq3A_3 = arith.cmpi eq, %arg1, %eq3A : i32
    %convert_element_type3A = arith.extui %eq3A_3 : i1 to i32
    %cond3A = arith.constant 0 : i32
    %cond3A_4 = arith.cmpi ne, %convert_element_type3A, %cond3A : i32
    scf.if %cond3A_4 {
      "tpu.region"() ({
        %run_scoped3A = tpu.sem_alloc : memref<!tpu.dma_semaphore, #tpu.memory_space<semaphore_mem>>
        tpu.enqueue_dma source(%arg3 : memref<3x20x4096xf32, #tpu.memory_space<hbm>>) target(%arg6 : memref<3x20x4096xf32, #tpu.memory_space<vmem_shared>>) target_semaphore(%run_scoped3A : memref<!tpu.dma_semaphore, #tpu.memory_space<semaphore_mem>>)
        tpu.wait_dma2 semaphore(%run_scoped3A : memref<!tpu.dma_semaphore, #tpu.memory_space<semaphore_mem>>) src(%arg3 : memref<3x20x4096xf32, #tpu.memory_space<hbm>>) dst(%arg6 : memref<3x20x4096xf32, #tpu.memory_space<vmem_shared>>)
        tpu.yield
      }) : () -> ()
    } else {
    }
    %barrier3A = arith.constant 0 : index
    tpu.barrier barrier_id(%barrier3A)
    %get3A = arith.constant 0 : index
    %get3A_5 = tpu.vector_load %arg5[%get3A] {strides = array<i32>} : memref<16xi32, #tpu.memory_space<vmem>>, vector<16xi32>,
    %get3A_6 = vector.shape_cast %get3A_5 : vector<16xi32> to vector<16xi32>
    %slice3A = vector.extract_strided_slice %get3A_6 {offsets = [0], sizes = [1], strides = [1]} : vector<16xi32> to vector<1xi32>
    %squeeze3A = vector.extract %slice3A[0] : i32 from vector<1xi32>
    %add3A_7 = arith.constant 0 : i32
    %add3A_8 = arith.addi %mul3A_2, %add3A_7 : i32
    %dma_start3A = arith.constant 0 : i32
    %dma_start3A_9 = arith.constant 0 : i32
    %dma_start3A_10 = tpu.memref_slice %arg4[%add3A_8, %dma_start3A, %dma_start3A_9] : memref<256x20x4096xf32, #tpu.memory_space<hbm>> -> memref<1x20x4096xf32, #tpu.memory_space<hbm>>
    %dma_start3A_11 = tpu.memref_squeeze %dma_start3A_10 : memref<1x20x4096xf32, #tpu.memory_space<hbm>> -> memref<20x4096xf32, #tpu.memory_space<hbm>>
    %dma_start3A_12 = arith.constant 0 : i32
    %dma_start3A_13 = arith.constant 0 : i32
    %dma_start3A_14 = tpu.memref_slice %arg6[%squeeze3A, %dma_start3A_12, %dma_start3A_13] : memref<3x20x4096xf32, #tpu.memory_space<vmem_shared>> -> memref<1x20x4096xf32, #tpu.memory_space<vmem_shared>>
    %dma_start3A_15 = tpu.memref_squeeze %dma_start3A_14 : memref<1x20x4096xf32, #tpu.memory_space<vmem_shared>> -> memref<20x4096xf32, #tpu.memory_space<vmem_shared>>
    tpu.enqueue_dma source(%dma_start3A_15 : memref<20x4096xf32, #tpu.memory_space<vmem_shared>>) target(%dma_start3A_11 : memref<20x4096xf32, #tpu.memory_space<hbm>>) target_semaphore(%arg7 : memref<!tpu.dma_semaphore, #tpu.memory_space<semaphore_mem>>)
    %slice3A_16 = vector.extract_strided_slice %get3A_6 {offsets = [1], sizes = [1], strides = [1]} : vector<16xi32> to vector<1xi32>
    %squeeze3A_17 = vector.extract %slice3A_16[0] : i32 from vector<1xi32>
    %add3A_18 = arith.constant 1 : i32
    %add3A_19 = arith.addi %mul3A_2, %add3A_18 : i32
    %dma_start3A_20 = arith.constant 0 : i32
    %dma_start3A_21 = arith.constant 0 : i32
    %dma_start3A_22 = tpu.memref_slice %arg4[%add3A_19, %dma_start3A_20, %dma_start3A_21] : memref<256x20x4096xf32, #tpu.memory_space<hbm>> -> memref<1x20x4096xf32, #tpu.memory_space<hbm>>
    %dma_start3A_23 = tpu.memref_squeeze %dma_start3A_22 : memref<1x20x4096xf32, #tpu.memory_space<hbm>> -> memref<20x4096xf32, #tpu.memory_space<hbm>>
    %dma_start3A_24 = arith.constant 0 : i32
    %dma_start3A_25 = arith.constant 0 : i32
    %dma_start3A_26 = tpu.memref_slice %arg6[%squeeze3A_17, %dma_start3A_24, %dma_start3A_25] : memref<3x20x4096xf32, #tpu.memory_space<vmem_shared>> -> memref<1x20x4096xf32, #tpu.memory_space<vmem_shared>>
    %dma_start3A_27 = tpu.memref_squeeze %dma_start3A_26 : memref<1x20x4096xf32, #tpu.memory_space<vmem_shared>> -> memref<20x4096xf32, #tpu.memory_space<vmem_shared>>
    tpu.enqueue_dma source(%dma_start3A_27 : memref<20x4096xf32, #tpu.memory_space<vmem_shared>>) target(%dma_start3A_23 : memref<20x4096xf32, #tpu.memory_space<hbm>>) target_semaphore(%arg7 : memref<!tpu.dma_semaphore, #tpu.memory_space<semaphore_mem>>)
    %slice3A_28 = vector.extract_strided_slice %get3A_6 {offsets = [2], sizes = [1], strides = [1]} : vector<16xi32> to vector<1xi32>
    %squeeze3A_29 = vector.extract %slice3A_28[0] : i32 from vector<1xi32>
    %add3A_30 = arith.constant 2 : i32
    %add3A_31 = arith.addi %mul3A_2, %add3A_30 : i32
    %dma_start3A_32 = arith.constant 0 : i32
    %dma_start3A_33 = arith.constant 0 : i32
    %dma_start3A_34 = tpu.memref_slice %arg4[%add3A_31, %dma_start3A_32, %dma_start3A_33] : memref<256x20x4096xf32, #tpu.memory_space<hbm>> -> memref<1x20x4096xf32, #tpu.memory_space<hbm>>
    %dma_start3A_35 = tpu.memref_squeeze %dma_start3A_34 : memref<1x20x4096xf32, #tpu.memory_space<hbm>> -> memref<20x4096xf32, #tpu.memory_space<hbm>>
    %dma_start3A_36 = arith.constant 0 : i32
    %dma_start3A_37 = arith.constant 0 : i32
    %dma_start3A_38 = tpu.memref_slice %arg6[%squeeze3A_29, %dma_start3A_36, %dma_start3A_37] : memref<3x20x4096xf32, #tpu.memory_space<vmem_shared>> -> memref<1x20x4096xf32, #tpu.memory_space<vmem_shared>>
    %dma_start3A_39 = tpu.memref_squeeze %dma_start3A_38 : memref<1x20x4096xf32, #tpu.memory_space<vmem_shared>> -> memref<20x4096xf32, #tpu.memory_space<vmem_shared>>
    tpu.enqueue_dma source(%dma_start3A_39 : memref<20x4096xf32, #tpu.memory_space<vmem_shared>>) target(%dma_start3A_35 : memref<20x4096xf32, #tpu.memory_space<hbm>>) target_semaphore(%arg7 : memref<!tpu.dma_semaphore, #tpu.memory_space<semaphore_mem>>)
    %slice3A_40 = vector.extract_strided_slice %get3A_6 {offsets = [3], sizes = [1], strides = [1]} : vector<16xi32> to vector<1xi32>
    %squeeze3A_41 = vector.extract %slice3A_40[0] : i32 from vector<1xi32>
    %add3A_42 = arith.constant 3 : i32
    %add3A_43 = arith.addi %mul3A_2, %add3A_42 : i32
    %dma_start3A_44 = arith.constant 0 : i32
    %dma_start3A_45 = arith.constant 0 : i32
    %dma_start3A_46 = tpu.memref_slice %arg4[%add3A_43, %dma_start3A_44, %dma_start3A_45] : memref<256x20x4096xf32, #tpu.memory_space<hbm>> -> memref<1x20x4096xf32, #tpu.memory_space<hbm>>
    %dma_start3A_47 = tpu.memref_squeeze %dma_start3A_46 : memref<1x20x4096xf32, #tpu.memory_space<hbm>> -> memref<20x4096xf32, #tpu.memory_space<hbm>>
    %dma_start3A_48 = arith.constant 0 : i32
    %dma_start3A_49 = arith.constant 0 : i32
    %dma_start3A_50 = tpu.memref_slice %arg6[%squeeze3A_41, %dma_start3A_48, %dma_start3A_49] : memref<3x20x4096xf32, #tpu.memory_space<vmem_shared>> -> memref<1x20x4096xf32, #tpu.memory_space<vmem_shared>>
    %dma_start3A_51 = tpu.memref_squeeze %dma_start3A_50 : memref<1x20x4096xf32, #tpu.memory_space<vmem_shared>> -> memref<20x4096xf32, #tpu.memory_space<vmem_shared>>
    tpu.enqueue_dma source(%dma_start3A_51 : memref<20x4096xf32, #tpu.memory_space<vmem_shared>>) target(%dma_start3A_47 : memref<20x4096xf32, #tpu.memory_space<hbm>>) target_semaphore(%arg7 : memref<!tpu.dma_semaphore, #tpu.memory_space<semaphore_mem>>)
    %slice3A_52 = vector.extract_strided_slice %get3A_6 {offsets = [4], sizes = [1], strides = [1]} : vector<16xi32> to vector<1xi32>
    %squeeze3A_53 = vector.extract %slice3A_52[0] : i32 from vector<1xi32>
    %add3A_54 = arith.constant 4 : i32
    %add3A_55 = arith.addi %mul3A_2, %add3A_54 : i32
    %dma_start3A_56 = arith.constant 0 : i32
    %dma_start3A_57 = arith.constant 0 : i32
    %dma_start3A_58 = tpu.memref_slice %arg4[%add3A_55, %dma_start3A_56, %dma_start3A_57] : memref<256x20x4096xf32, #tpu.memory_space<hbm>> -> memref<1x20x4096xf32, #tpu.memory_space<hbm>>
    %dma_start3A_59 = tpu.memref_squeeze %dma_start3A_58 : memref<1x20x4096xf32, #tpu.memory_space<hbm>> -> memref<20x4096xf32, #tpu.memory_space<hbm>>
    %dma_start3A_60 = arith.constant 0 : i32
    %dma_start3A_61 = arith.constant 0 : i32
    %dma_start3A_62 = tpu.memref_slice %arg6[%squeeze3A_53, %dma_start3A_60, %dma_start3A_61] : memref<3x20x4096xf32, #tpu.memory_space<vmem_shared>> -> memref<1x20x4096xf32, #tpu.memory_space<vmem_shared>>
    %dma_start3A_63 = tpu.memref_squeeze %dma_start3A_62 : memref<1x20x4096xf32, #tpu.memory_space<vmem_shared>> -> memref<20x4096xf32, #tpu.memory_space<vmem_shared>>
    tpu.enqueue_dma source(%dma_start3A_63 : memref<20x4096xf32, #tpu.memory_space<vmem_shared>>) target(%dma_start3A_59 : memref<20x4096xf32, #tpu.memory_space<hbm>>) target_semaphore(%arg7 : memref<!tpu.dma_semaphore, #tpu.memory_space<semaphore_mem>>)
    %slice3A_64 = vector.extract_strided_slice %get3A_6 {offsets = [5], sizes = [1], strides = [1]} : vector<16xi32> to vector<1xi32>
    %squeeze3A_65 = vector.extract %slice3A_64[0] : i32 from vector<1xi32>
    %add3A_66 = arith.constant 5 : i32
    %add3A_67 = arith.addi %mul3A_2, %add3A_66 : i32
    %dma_start3A_68 = arith.constant 0 : i32
    %dma_start3A_69 = arith.constant 0 : i32
    %dma_start3A_70 = tpu.memref_slice %arg4[%add3A_67, %dma_start3A_68, %dma_start3A_69] : memref<256x20x4096xf32, #tpu.memory_space<hbm>> -> memref<1x20x4096xf32, #tpu.memory_space<hbm>>
    %dma_start3A_71 = tpu.memref_squeeze %dma_start3A_70 : memref<1x20x4096xf32, #tpu.memory_space<hbm>> -> memref<20x4096xf32, #tpu.memory_space<hbm>>
    %dma_start3A_72 = arith.constant 0 : i32
    %dma_start3A_73 = arith.constant 0 : i32
    %dma_start3A_74 = tpu.memref_slice %arg6[%squeeze3A_65, %dma_start3A_72, %dma_start3A_73] : memref<3x20x4096xf32, #tpu.memory_space<vmem_shared>> -> memref<1x20x4096xf32, #tpu.memory_space<vmem_shared>>
    %dma_start3A_75 = tpu.memref_squeeze %dma_start3A_74 : memref<1x20x4096xf32, #tpu.memory_space<vmem_shared>> -> memref<20x4096xf32, #tpu.memory_space<vmem_shared>>
    tpu.enqueue_dma source(%dma_start3A_75 : memref<20x4096xf32, #tpu.memory_space<vmem_shared>>) target(%dma_start3A_71 : memref<20x4096xf32, #tpu.memory_space<hbm>>) target_semaphore(%arg7 : memref<!tpu.dma_semaphore, #tpu.memory_space<semaphore_mem>>)
    %slice3A_76 = vector.extract_strided_slice %get3A_6 {offsets = [6], sizes = [1], strides = [1]} : vector<16xi32> to vector<1xi32>
    %squeeze3A_77 = vector.extract %slice3A_76[0] : i32 from vector<1xi32>
    %add3A_78 = arith.constant 6 : i32
    %add3A_79 = arith.addi %mul3A_2, %add3A_78 : i32
    %dma_start3A_80 = arith.constant 0 : i32
    %dma_start3A_81 = arith.constant 0 : i32
    %dma_start3A_82 = tpu.memref_slice %arg4[%add3A_79, %dma_start3A_80, %dma_start3A_81] : memref<256x20x4096xf32, #tpu.memory_space<hbm>> -> memref<1x20x4096xf32, #tpu.memory_space<hbm>>
    %dma_start3A_83 = tpu.memref_squeeze %dma_start3A_82 : memref<1x20x4096xf32, #tpu.memory_space<hbm>> -> memref<20x4096xf32, #tpu.memory_space<hbm>>
    %dma_start3A_84 = arith.constant 0 : i32
    %dma_start3A_85 = arith.constant 0 : i32
    %dma_start3A_86 = tpu.memref_slice %arg6[%squeeze3A_77, %dma_start3A_84, %dma_start3A_85] : memref<3x20x4096xf32, #tpu.memory_space<vmem_shared>> -> memref<1x20x4096xf32, #tpu.memory_space<vmem_shared>>
    %dma_start3A_87 = tpu.memref_squeeze %dma_start3A_86 : memref<1x20x4096xf32, #tpu.memory_space<vmem_shared>> -> memref<20x4096xf32, #tpu.memory_space<vmem_shared>>
    tpu.enqueue_dma source(%dma_start3A_87 : memref<20x4096xf32, #tpu.memory_space<vmem_shared>>) target(%dma_start3A_83 : memref<20x4096xf32, #tpu.memory_space<hbm>>) target_semaphore(%arg7 : memref<!tpu.dma_semaphore, #tpu.memory_space<semaphore_mem>>)
    %slice3A_88 = vector.extract_strided_slice %get3A_6 {offsets = [7], sizes = [1], strides = [1]} : vector<16xi32> to vector<1xi32>
    %squeeze3A_89 = vector.extract %slice3A_88[0] : i32 from vector<1xi32>
    %add3A_90 = arith.constant 7 : i32
    %add3A_91 = arith.addi %mul3A_2, %add3A_90 : i32
    %dma_start3A_92 = arith.constant 0 : i32
    %dma_start3A_93 = arith.constant 0 : i32
    %dma_start3A_94 = tpu.memref_slice %arg4[%add3A_91, %dma_start3A_92, %dma_start3A_93] : memref<256x20x4096xf32, #tpu.memory_space<hbm>> -> memref<1x20x4096xf32, #tpu.memory_space<hbm>>
    %dma_start3A_95 = tpu.memref_squeeze %dma_start3A_94 : memref<1x20x4096xf32, #tpu.memory_space<hbm>> -> memref<20x4096xf32, #tpu.memory_space<hbm>>
    %dma_start3A_96 = arith.constant 0 : i32
    %dma_start3A_97 = arith.constant 0 : i32
    %dma_start3A_98 = tpu.memref_slice %arg6[%squeeze3A_89, %dma_start3A_96, %dma_start3A_97] : memref<3x20x4096xf32, #tpu.memory_space<vmem_shared>> -> memref<1x20x4096xf32, #tpu.memory_space<vmem_shared>>
    %dma_start3A_99 = tpu.memref_squeeze %dma_start3A_98 : memref<1x20x4096xf32, #tpu.memory_space<vmem_shared>> -> memref<20x4096xf32, #tpu.memory_space<vmem_shared>>
    tpu.enqueue_dma source(%dma_start3A_99 : memref<20x4096xf32, #tpu.memory_space<vmem_shared>>) target(%dma_start3A_95 : memref<20x4096xf32, #tpu.memory_space<hbm>>) target_semaphore(%arg7 : memref<!tpu.dma_semaphore, #tpu.memory_space<semaphore_mem>>)
    %dma_wait3A = arith.constant 0 : i32
    %dma_wait3A_100 = arith.constant 0 : i32
    %dma_wait3A_101 = arith.constant 0 : i32
    %dma_wait3A_102 = tpu.memref_slice %arg4[%mul3A_2, %dma_wait3A_100, %dma_wait3A_101] : memref<256x20x4096xf32, #tpu.memory_space<hbm>> -> memref<1x20x4096xf32, #tpu.memory_space<hbm>>
    %dma_wait3A_103 = tpu.memref_squeeze %dma_wait3A_102 : memref<1x20x4096xf32, #tpu.memory_space<hbm>> -> memref<20x4096xf32, #tpu.memory_space<hbm>>
    %dma_wait3A_104 = arith.constant 0 : i32
    %dma_wait3A_105 = arith.constant 0 : i32
    %dma_wait3A_106 = tpu.memref_slice %arg6[%dma_wait3A, %dma_wait3A_104, %dma_wait3A_105] : memref<3x20x4096xf32, #tpu.memory_space<vmem_shared>> -> memref<1x20x4096xf32, #tpu.memory_space<vmem_shared>>
    %dma_wait3A_107 = tpu.memref_squeeze %dma_wait3A_106 : memref<1x20x4096xf32, #tpu.memory_space<vmem_shared>> -> memref<20x4096xf32, #tpu.memory_space<vmem_shared>>
    tpu.wait_dma2 semaphore(%arg7 : memref<!tpu.dma_semaphore, #tpu.memory_space<semaphore_mem>>) src(%dma_wait3A_107 : memref<20x4096xf32, #tpu.memory_space<vmem_shared>>) dst(%dma_wait3A_103 : memref<20x4096xf32, #tpu.memory_space<hbm>>)
    %dma_wait3A_108 = arith.constant 0 : i32
    %dma_wait3A_109 = arith.constant 0 : i32
    %dma_wait3A_110 = arith.constant 0 : i32
    %dma_wait3A_111 = tpu.memref_slice %arg4[%mul3A_2, %dma_wait3A_109, %dma_wait3A_110] : memref<256x20x4096xf32, #tpu.memory_space<hbm>> -> memref<1x20x4096xf32, #tpu.memory_space<hbm>>
    %dma_wait3A_112 = tpu.memref_squeeze %dma_wait3A_111 : memref<1x20x4096xf32, #tpu.memory_space<hbm>> -> memref<20x4096xf32, #tpu.memory_space<hbm>>
    %dma_wait3A_113 = arith.constant 0 : i32
    %dma_wait3A_114 = arith.constant 0 : i32
    %dma_wait3A_115 = tpu.memref_slice %arg6[%dma_wait3A_108, %dma_wait3A_113, %dma_wait3A_114] : memref<3x20x4096xf32, #tpu.memory_space<vmem_shared>> -> memref<1x20x4096xf32, #tpu.memory_space<vmem_shared>>
    %dma_wait3A_116 = tpu.memref_squeeze %dma_wait3A_115 : memref<1x20x4096xf32, #tpu.memory_space<vmem_shared>> -> memref<20x4096xf32, #tpu.memory_space<vmem_shared>>
    tpu.wait_dma2 semaphore(%arg7 : memref<!tpu.dma_semaphore, #tpu.memory_space<semaphore_mem>>) src(%dma_wait3A_116 : memref<20x4096xf32, #tpu.memory_space<vmem_shared>>) dst(%dma_wait3A_112 : memref<20x4096xf32, #tpu.memory_space<hbm>>)
    %dma_wait3A_117 = arith.constant 0 : i32
    %dma_wait3A_118 = arith.constant 0 : i32
    %dma_wait3A_119 = arith.constant 0 : i32
    %dma_wait3A_120 = tpu.memref_slice %arg4[%mul3A_2, %dma_wait3A_118, %dma_wait3A_119] : memref<256x20x4096xf32, #tpu.memory_space<hbm>> -> memref<1x20x4096xf32, #tpu.memory_space<hbm>>
    %dma_wait3A_121 = tpu.memref_squeeze %dma_wait3A_120 : memref<1x20x4096xf32, #tpu.memory_space<hbm>> -> memref<20x4096xf32, #tpu.memory_space<hbm>>
    %dma_wait3A_122 = arith.constant 0 : i32
    %dma_wait3A_123 = arith.constant 0 : i32
    %dma_wait3A_124 = tpu.memref_slice %arg6[%dma_wait3A_117, %dma_wait3A_122, %dma_wait3A_123] : memref<3x20x4096xf32, #tpu.memory_space<vmem_shared>> -> memref<1x20x4096xf32, #tpu.memory_space<vmem_shared>>
    %dma_wait3A_125 = tpu.memref_squeeze %dma_wait3A_124 : memref<1x20x4096xf32, #tpu.memory_space<vmem_shared>> -> memref<20x4096xf32, #tpu.memory_space<vmem_shared>>
    tpu.wait_dma2 semaphore(%arg7 : memref<!tpu.dma_semaphore, #tpu.memory_space<semaphore_mem>>) src(%dma_wait3A_125 : memref<20x4096xf32, #tpu.memory_space<vmem_shared>>) dst(%dma_wait3A_121 : memref<20x4096xf32, #tpu.memory_space<hbm>>)
    %dma_wait3A_126 = arith.constant 0 : i32
    %dma_wait3A_127 = arith.constant 0 : i32
    %dma_wait3A_128 = arith.constant 0 : i32
    %dma_wait3A_129 = tpu.memref_slice %arg4[%mul3A_2, %dma_wait3A_127, %dma_wait3A_128] : memref<256x20x4096xf32, #tpu.memory_space<hbm>> -> memref<1x20x4096xf32, #tpu.memory_space<hbm>>
    %dma_wait3A_130 = tpu.memref_squeeze %dma_wait3A_129 : memref<1x20x4096xf32, #tpu.memory_space<hbm>> -> memref<20x4096xf32, #tpu.memory_space<hbm>>
    %dma_wait3A_131 = arith.constant 0 : i32
    %dma_wait3A_132 = arith.constant 0 : i32
    %dma_wait3A_133 = tpu.memref_slice %arg6[%dma_wait3A_126, %dma_wait3A_131, %dma_wait3A_132] : memref<3x20x4096xf32, #tpu.memory_space<vmem_shared>> -> memref<1x20x4096xf32, #tpu.memory_space<vmem_shared>>
    %dma_wait3A_134 = tpu.memref_squeeze %dma_wait3A_133 : memref<1x20x4096xf32, #tpu.memory_space<vmem_shared>> -> memref<20x4096xf32, #tpu.memory_space<vmem_shared>>
    tpu.wait_dma2 semaphore(%arg7 : memref<!tpu.dma_semaphore, #tpu.memory_space<semaphore_mem>>) src(%dma_wait3A_134 : memref<20x4096xf32, #tpu.memory_space<vmem_shared>>) dst(%dma_wait3A_130 : memref<20x4096xf32, #tpu.memory_space<hbm>>)
    %dma_wait3A_135 = arith.constant 0 : i32
    %dma_wait3A_136 = arith.constant 0 : i32
    %dma_wait3A_137 = arith.constant 0 : i32
    %dma_wait3A_138 = tpu.memref_slice %arg4[%mul3A_2, %dma_wait3A_136, %dma_wait3A_137] : memref<256x20x4096xf32, #tpu.memory_space<hbm>> -> memref<1x20x4096xf32, #tpu.memory_space<hbm>>
    %dma_wait3A_139 = tpu.memref_squeeze %dma_wait3A_138 : memref<1x20x4096xf32, #tpu.memory_space<hbm>> -> memref<20x4096xf32, #tpu.memory_space<hbm>>
    %dma_wait3A_140 = arith.constant 0 : i32
    %dma_wait3A_141 = arith.constant 0 : i32
    %dma_wait3A_142 = tpu.memref_slice %arg6[%dma_wait3A_135, %dma_wait3A_140, %dma_wait3A_141] : memref<3x20x4096xf32, #tpu.memory_space<vmem_shared>> -> memref<1x20x4096xf32, #tpu.memory_space<vmem_shared>>
    %dma_wait3A_143 = tpu.memref_squeeze %dma_wait3A_142 : memref<1x20x4096xf32, #tpu.memory_space<vmem_shared>> -> memref<20x4096xf32, #tpu.memory_space<vmem_shared>>
    tpu.wait_dma2 semaphore(%arg7 : memref<!tpu.dma_semaphore, #tpu.memory_space<semaphore_mem>>) src(%dma_wait3A_143 : memref<20x4096xf32, #tpu.memory_space<vmem_shared>>) dst(%dma_wait3A_139 : memref<20x4096xf32, #tpu.memory_space<hbm>>)
    %dma_wait3A_144 = arith.constant 0 : i32
    %dma_wait3A_145 = arith.constant 0 : i32
    %dma_wait3A_146 = arith.constant 0 : i32
    %dma_wait3A_147 = tpu.memref_slice %arg4[%mul3A_2, %dma_wait3A_145, %dma_wait3A_146] : memref<256x20x4096xf32, #tpu.memory_space<hbm>> -> memref<1x20x4096xf32, #tpu.memory_space<hbm>>
    %dma_wait3A_148 = tpu.memref_squeeze %dma_wait3A_147 : memref<1x20x4096xf32, #tpu.memory_space<hbm>> -> memref<20x4096xf32, #tpu.memory_space<hbm>>
    %dma_wait3A_149 = arith.constant 0 : i32
    %dma_wait3A_150 = arith.constant 0 : i32
    %dma_wait3A_151 = tpu.memref_slice %arg6[%dma_wait3A_144, %dma_wait3A_149, %dma_wait3A_150] : memref<3x20x4096xf32, #tpu.memory_space<vmem_shared>> -> memref<1x20x4096xf32, #tpu.memory_space<vmem_shared>>
    %dma_wait3A_152 = tpu.memref_squeeze %dma_wait3A_151 : memref<1x20x4096xf32, #tpu.memory_space<vmem_shared>> -> memref<20x4096xf32, #tpu.memory_space<vmem_shared>>
    tpu.wait_dma2 semaphore(%arg7 : memref<!tpu.dma_semaphore, #tpu.memory_space<semaphore_mem>>) src(%dma_wait3A_152 : memref<20x4096xf32, #tpu.memory_space<vmem_shared>>) dst(%dma_wait3A_148 : memref<20x4096xf32, #tpu.memory_space<hbm>>)
    %dma_wait3A_153 = arith.constant 0 : i32
    %dma_wait3A_154 = arith.constant 0 : i32
    %dma_wait3A_155 = arith.constant 0 : i32
    %dma_wait3A_156 = tpu.memref_slice %arg4[%mul3A_2, %dma_wait3A_154, %dma_wait3A_155] : memref<256x20x4096xf32, #tpu.memory_space<hbm>> -> memref<1x20x4096xf32, #tpu.memory_space<hbm>>
    %dma_wait3A_157 = tpu.memref_squeeze %dma_wait3A_156 : memref<1x20x4096xf32, #tpu.memory_space<hbm>> -> memref<20x4096xf32, #tpu.memory_space<hbm>>
    %dma_wait3A_158 = arith.constant 0 : i32
    %dma_wait3A_159 = arith.constant 0 : i32
    %dma_wait3A_160 = tpu.memref_slice %arg6[%dma_wait3A_153, %dma_wait3A_158, %dma_wait3A_159] : memref<3x20x4096xf32, #tpu.memory_space<vmem_shared>> -> memref<1x20x4096xf32, #tpu.memory_space<vmem_shared>>
    %dma_wait3A_161 = tpu.memref_squeeze %dma_wait3A_160 : memref<1x20x4096xf32, #tpu.memory_space<vmem_shared>> -> memref<20x4096xf32, #tpu.memory_space<vmem_shared>>
    tpu.wait_dma2 semaphore(%arg7 : memref<!tpu.dma_semaphore, #tpu.memory_space<semaphore_mem>>) src(%dma_wait3A_161 : memref<20x4096xf32, #tpu.memory_space<vmem_shared>>) dst(%dma_wait3A_157 : memref<20x4096xf32, #tpu.memory_space<hbm>>)
    %dma_wait3A_162 = arith.constant 0 : i32
    %dma_wait3A_163 = arith.constant 0 : i32
    %dma_wait3A_164 = arith.constant 0 : i32
    %dma_wait3A_165 = tpu.memref_slice %arg4[%mul3A_2, %dma_wait3A_163, %dma_wait3A_164] : memref<256x20x4096xf32, #tpu.memory_space<hbm>> -> memref<1x20x4096xf32, #tpu.memory_space<hbm>>
    %dma_wait3A_166 = tpu.memref_squeeze %dma_wait3A_165 : memref<1x20x4096xf32, #tpu.memory_space<hbm>> -> memref<20x4096xf32, #tpu.memory_space<hbm>>
    %dma_wait3A_167 = arith.constant 0 : i32
    %dma_wait3A_168 = arith.constant 0 : i32
    %dma_wait3A_169 = tpu.memref_slice %arg6[%dma_wait3A_162, %dma_wait3A_167, %dma_wait3A_168] : memref<3x20x4096xf32, #tpu.memory_space<vmem_shared>> -> memref<1x20x4096xf32, #tpu.memory_space<vmem_shared>>
    %dma_wait3A_170 = tpu.memref_squeeze %dma_wait3A_169 : memref<1x20x4096xf32, #tpu.memory_space<vmem_shared>> -> memref<20x4096xf32, #tpu.memory_space<vmem_shared>>
    tpu.wait_dma2 semaphore(%arg7 : memref<!tpu.dma_semaphore, #tpu.memory_space<semaphore_mem>>) src(%dma_wait3A_170 : memref<20x4096xf32, #tpu.memory_space<vmem_shared>>) dst(%dma_wait3A_166 : memref<20x4096xf32, #tpu.memory_space<hbm>>)
    return
  }
}

module attributes {stable_mosaic.version = 14 : i64} {
  func.func @body(%arg0: i32, %arg1: memref<1024xi32, #tpu.memory_space<smem>>, %arg2: memref<3x20x4096xf32, #tpu.memory_space<vmem>>, %arg3: memref<8x20x4096xf32, #tpu.memory_space<vmem>>) attributes {dimension_semantics = [#tpu.dimension_semantics<arbitrary>], iteration_bounds = array<i64: 96>, scalar_prefetch = 1 : i64, scratch_operands = 0 : i64, tpu.core_type = #tpu.core_type<tc>, window_params = [{pipeline_mode = #tpu.pipeline_mode<synchronous>, transform_indices = @transform_0, window_bounds = array<i64: 3, 20, 4096>}, {transform_indices = @transform_1, window_bounds = array<i64: 8, 20, 4096>}]} {
    %mul3A = arith.constant 8 : i32
    %mul3A_0 = arith.muli %arg0, %mul3A : i32
    %add3A = arith.constant 0 : i32
    %add3A_1 = arith.addi %mul3A_0, %add3A : i32
    %get3A = arith.index_cast %add3A_1 : i32 to index
    %get3A_2 = memref.load %arg1[%get3A] : memref<1024xi32, #tpu.memory_space<smem>>
    %get3A_3 = arith.index_cast %get3A_2 : i32 to index
    %get3A_4 = arith.constant 0 : index
    %get3A_5 = arith.constant 0 : index
    %get3A_6 = vector.load %arg2[%get3A_3, %get3A_4, %get3A_5] : memref<3x20x4096xf32, #tpu.memory_space<vmem>>, vector<1x20x4096xf32>
    %get3A_7 = vector.shape_cast %get3A_6 : vector<1x20x4096xf32> to vector<20x4096xf32>
    %swap3A = arith.constant 0 : index
    %swap3A_8 = arith.constant 0 : index
    %swap3A_9 = arith.constant 0 : index
    %swap3A_10 = vector.load %arg3[%swap3A, %swap3A_8, %swap3A_9] : memref<8x20x4096xf32, #tpu.memory_space<vmem>>, vector<1x20x4096xf32>
    %swap3A_11 = vector.shape_cast %swap3A_10 : vector<1x20x4096xf32> to vector<20x4096xf32>
    %swap3A_12 = vector.shape_cast %get3A_7 : vector<20x4096xf32> to vector<1x20x4096xf32>
    tpu.vector_store %arg3[%swap3A, %swap3A_8, %swap3A_9], %swap3A_12 {strides = array<i32>} : memref<8x20x4096xf32, #tpu.memory_space<vmem>>, vector<1x20x4096xf32>,
    %add3A_13 = arith.constant 1 : i32
    %add3A_14 = arith.addi %mul3A_0, %add3A_13 : i32
    %get3A_15 = arith.index_cast %add3A_14 : i32 to index
    %get3A_16 = memref.load %arg1[%get3A_15] : memref<1024xi32, #tpu.memory_space<smem>>
    %get3A_17 = arith.index_cast %get3A_16 : i32 to index
    %get3A_18 = arith.constant 0 : index
    %get3A_19 = arith.constant 0 : index
    %get3A_20 = vector.load %arg2[%get3A_17, %get3A_18, %get3A_19] : memref<3x20x4096xf32, #tpu.memory_space<vmem>>, vector<1x20x4096xf32>
    %get3A_21 = vector.shape_cast %get3A_20 : vector<1x20x4096xf32> to vector<20x4096xf32>
    %swap3A_22 = arith.constant 1 : index
    %swap3A_23 = arith.constant 0 : index
    %swap3A_24 = arith.constant 0 : index
    %swap3A_25 = vector.load %arg3[%swap3A_22, %swap3A_23, %swap3A_24] : memref<8x20x4096xf32, #tpu.memory_space<vmem>>, vector<1x20x4096xf32>
    %swap3A_26 = vector.shape_cast %swap3A_25 : vector<1x20x4096xf32> to vector<20x4096xf32>
    %swap3A_27 = vector.shape_cast %get3A_21 : vector<20x4096xf32> to vector<1x20x4096xf32>
    tpu.vector_store %arg3[%swap3A_22, %swap3A_23, %swap3A_24], %swap3A_27 {strides = array<i32>} : memref<8x20x4096xf32, #tpu.memory_space<vmem>>, vector<1x20x4096xf32>,
    %add3A_28 = arith.constant 2 : i32
    %add3A_29 = arith.addi %mul3A_0, %add3A_28 : i32
    %get3A_30 = arith.index_cast %add3A_29 : i32 to index
    %get3A_31 = memref.load %arg1[%get3A_30] : memref<1024xi32, #tpu.memory_space<smem>>
    %get3A_32 = arith.index_cast %get3A_31 : i32 to index
    %get3A_33 = arith.constant 0 : index
    %get3A_34 = arith.constant 0 : index
    %get3A_35 = vector.load %arg2[%get3A_32, %get3A_33, %get3A_34] : memref<3x20x4096xf32, #tpu.memory_space<vmem>>, vector<1x20x4096xf32>
    %get3A_36 = vector.shape_cast %get3A_35 : vector<1x20x4096xf32> to vector<20x4096xf32>
    %swap3A_37 = arith.constant 2 : index
    %swap3A_38 = arith.constant 0 : index
    %swap3A_39 = arith.constant 0 : index
    %swap3A_40 = vector.load %arg3[%swap3A_37, %swap3A_38, %swap3A_39] : memref<8x20x4096xf32, #tpu.memory_space<vmem>>, vector<1x20x4096xf32>
    %swap3A_41 = vector.shape_cast %swap3A_40 : vector<1x20x4096xf32> to vector<20x4096xf32>
    %swap3A_42 = vector.shape_cast %get3A_36 : vector<20x4096xf32> to vector<1x20x4096xf32>
    tpu.vector_store %arg3[%swap3A_37, %swap3A_38, %swap3A_39], %swap3A_42 {strides = array<i32>} : memref<8x20x4096xf32, #tpu.memory_space<vmem>>, vector<1x20x4096xf32>,
    %add3A_43 = arith.constant 3 : i32
    %add3A_44 = arith.addi %mul3A_0, %add3A_43 : i32
    %get3A_45 = arith.index_cast %add3A_44 : i32 to index
    %get3A_46 = memref.load %arg1[%get3A_45] : memref<1024xi32, #tpu.memory_space<smem>>
    %get3A_47 = arith.index_cast %get3A_46 : i32 to index
    %get3A_48 = arith.constant 0 : index
    %get3A_49 = arith.constant 0 : index
    %get3A_50 = vector.load %arg2[%get3A_47, %get3A_48, %get3A_49] : memref<3x20x4096xf32, #tpu.memory_space<vmem>>, vector<1x20x4096xf32>
    %get3A_51 = vector.shape_cast %get3A_50 : vector<1x20x4096xf32> to vector<20x4096xf32>
    %swap3A_52 = arith.constant 3 : index
    %swap3A_53 = arith.constant 0 : index
    %swap3A_54 = arith.constant 0 : index
    %swap3A_55 = vector.load %arg3[%swap3A_52, %swap3A_53, %swap3A_54] : memref<8x20x4096xf32, #tpu.memory_space<vmem>>, vector<1x20x4096xf32>
    %swap3A_56 = vector.shape_cast %swap3A_55 : vector<1x20x4096xf32> to vector<20x4096xf32>
    %swap3A_57 = vector.shape_cast %get3A_51 : vector<20x4096xf32> to vector<1x20x4096xf32>
    tpu.vector_store %arg3[%swap3A_52, %swap3A_53, %swap3A_54], %swap3A_57 {strides = array<i32>} : memref<8x20x4096xf32, #tpu.memory_space<vmem>>, vector<1x20x4096xf32>,
    %add3A_58 = arith.constant 4 : i32
    %add3A_59 = arith.addi %mul3A_0, %add3A_58 : i32
    %get3A_60 = arith.index_cast %add3A_59 : i32 to index
    %get3A_61 = memref.load %arg1[%get3A_60] : memref<1024xi32, #tpu.memory_space<smem>>
    %get3A_62 = arith.index_cast %get3A_61 : i32 to index
    %get3A_63 = arith.constant 0 : index
    %get3A_64 = arith.constant 0 : index
    %get3A_65 = vector.load %arg2[%get3A_62, %get3A_63, %get3A_64] : memref<3x20x4096xf32, #tpu.memory_space<vmem>>, vector<1x20x4096xf32>
    %get3A_66 = vector.shape_cast %get3A_65 : vector<1x20x4096xf32> to vector<20x4096xf32>
    %swap3A_67 = arith.constant 4 : index
    %swap3A_68 = arith.constant 0 : index
    %swap3A_69 = arith.constant 0 : index
    %swap3A_70 = vector.load %arg3[%swap3A_67, %swap3A_68, %swap3A_69] : memref<8x20x4096xf32, #tpu.memory_space<vmem>>, vector<1x20x4096xf32>
    %swap3A_71 = vector.shape_cast %swap3A_70 : vector<1x20x4096xf32> to vector<20x4096xf32>
    %swap3A_72 = vector.shape_cast %get3A_66 : vector<20x4096xf32> to vector<1x20x4096xf32>
    tpu.vector_store %arg3[%swap3A_67, %swap3A_68, %swap3A_69], %swap3A_72 {strides = array<i32>} : memref<8x20x4096xf32, #tpu.memory_space<vmem>>, vector<1x20x4096xf32>,
    %add3A_73 = arith.constant 5 : i32
    %add3A_74 = arith.addi %mul3A_0, %add3A_73 : i32
    %get3A_75 = arith.index_cast %add3A_74 : i32 to index
    %get3A_76 = memref.load %arg1[%get3A_75] : memref<1024xi32, #tpu.memory_space<smem>>
    %get3A_77 = arith.index_cast %get3A_76 : i32 to index
    %get3A_78 = arith.constant 0 : index
    %get3A_79 = arith.constant 0 : index
    %get3A_80 = vector.load %arg2[%get3A_77, %get3A_78, %get3A_79] : memref<3x20x4096xf32, #tpu.memory_space<vmem>>, vector<1x20x4096xf32>
    %get3A_81 = vector.shape_cast %get3A_80 : vector<1x20x4096xf32> to vector<20x4096xf32>
    %swap3A_82 = arith.constant 5 : index
    %swap3A_83 = arith.constant 0 : index
    %swap3A_84 = arith.constant 0 : index
    %swap3A_85 = vector.load %arg3[%swap3A_82, %swap3A_83, %swap3A_84] : memref<8x20x4096xf32, #tpu.memory_space<vmem>>, vector<1x20x4096xf32>
    %swap3A_86 = vector.shape_cast %swap3A_85 : vector<1x20x4096xf32> to vector<20x4096xf32>
    %swap3A_87 = vector.shape_cast %get3A_81 : vector<20x4096xf32> to vector<1x20x4096xf32>
    tpu.vector_store %arg3[%swap3A_82, %swap3A_83, %swap3A_84], %swap3A_87 {strides = array<i32>} : memref<8x20x4096xf32, #tpu.memory_space<vmem>>, vector<1x20x4096xf32>,
    %add3A_88 = arith.constant 6 : i32
    %add3A_89 = arith.addi %mul3A_0, %add3A_88 : i32
    %get3A_90 = arith.index_cast %add3A_89 : i32 to index
    %get3A_91 = memref.load %arg1[%get3A_90] : memref<1024xi32, #tpu.memory_space<smem>>
    %get3A_92 = arith.index_cast %get3A_91 : i32 to index
    %get3A_93 = arith.constant 0 : index
    %get3A_94 = arith.constant 0 : index
    %get3A_95 = vector.load %arg2[%get3A_92, %get3A_93, %get3A_94] : memref<3x20x4096xf32, #tpu.memory_space<vmem>>, vector<1x20x4096xf32>
    %get3A_96 = vector.shape_cast %get3A_95 : vector<1x20x4096xf32> to vector<20x4096xf32>
    %swap3A_97 = arith.constant 6 : index
    %swap3A_98 = arith.constant 0 : index
    %swap3A_99 = arith.constant 0 : index
    %swap3A_100 = vector.load %arg3[%swap3A_97, %swap3A_98, %swap3A_99] : memref<8x20x4096xf32, #tpu.memory_space<vmem>>, vector<1x20x4096xf32>
    %swap3A_101 = vector.shape_cast %swap3A_100 : vector<1x20x4096xf32> to vector<20x4096xf32>
    %swap3A_102 = vector.shape_cast %get3A_96 : vector<20x4096xf32> to vector<1x20x4096xf32>
    tpu.vector_store %arg3[%swap3A_97, %swap3A_98, %swap3A_99], %swap3A_102 {strides = array<i32>} : memref<8x20x4096xf32, #tpu.memory_space<vmem>>, vector<1x20x4096xf32>,
    %add3A_103 = arith.constant 7 : i32
    %add3A_104 = arith.addi %mul3A_0, %add3A_103 : i32
    %get3A_105 = arith.index_cast %add3A_104 : i32 to index
    %get3A_106 = memref.load %arg1[%get3A_105] : memref<1024xi32, #tpu.memory_space<smem>>
    %get3A_107 = arith.index_cast %get3A_106 : i32 to index
    %get3A_108 = arith.constant 0 : index
    %get3A_109 = arith.constant 0 : index
    %get3A_110 = vector.load %arg2[%get3A_107, %get3A_108, %get3A_109] : memref<3x20x4096xf32, #tpu.memory_space<vmem>>, vector<1x20x4096xf32>
    %get3A_111 = vector.shape_cast %get3A_110 : vector<1x20x4096xf32> to vector<20x4096xf32>
    %swap3A_112 = arith.constant 7 : index
    %swap3A_113 = arith.constant 0 : index
    %swap3A_114 = arith.constant 0 : index
    %swap3A_115 = vector.load %arg3[%swap3A_112, %swap3A_113, %swap3A_114] : memref<8x20x4096xf32, #tpu.memory_space<vmem>>, vector<1x20x4096xf32>
    %swap3A_116 = vector.shape_cast %swap3A_115 : vector<1x20x4096xf32> to vector<20x4096xf32>
    %swap3A_117 = vector.shape_cast %get3A_111 : vector<20x4096xf32> to vector<1x20x4096xf32>
    tpu.vector_store %arg3[%swap3A_112, %swap3A_113, %swap3A_114], %swap3A_117 {strides = array<i32>} : memref<8x20x4096xf32, #tpu.memory_space<vmem>>, vector<1x20x4096xf32>,
    return
  }
  func.func @transform_0(%arg0: i32, %arg1: memref<1024xi32, #tpu.memory_space<smem>>) -> (i32, i32, i32) {
    %c0_i32 = arith.constant 0 : i32
    %c0_i32_0 = arith.constant 0 : i32
    %c0_i32_1 = arith.constant 0 : i32
    %c0_i32_2 = arith.constant 0 : i32
    return %c0_i32, %c0_i32_0, %c0_i32_1 : i32, i32, i32
  }
  func.func @transform_1(%arg0: i32, %arg1: memref<1024xi32, #tpu.memory_space<smem>>) -> (i32, i32, i32) {
    %c0_i32 = arith.constant 0 : i32
    %c0_i32_0 = arith.constant 0 : i32
    %c0_i32_1 = arith.constant 0 : i32
    return %arg0, %c0_i32, %c0_i32_0 : i32, i32, i32
  }
}

</mosaic_0001>

<sc_bundles>
// kernel: kernel.4.cloned.1.call-start
scs
__scs_entry_jumppad:
0x0: {  	(pc) =	sbr.rel $0x88, $3  }
0x1: {  	(tag) =	ssettag $0x0;
	lr =	simm.s32 $0x1  }
0x2: {  	[smem:$0x3F9F] =	sst lr;
	_ =	strace $0xD0000000  }
0x3: {  	_ = 	snop  }
0x4: {  	_ = 	snop  }
0x5: {  	_ = 	snop  }
0x6: {  	_ = 	snop  }
0x7: {  	_ = 	snop  }
__scs_overlays_trampoline_lowered:
0x8: {  	[smem:$0x3FAE] =	sst s0  }
0x9: {  	[smem:$0x3FAF] =	sst s1  }
0xa: {  	[smem:$0x3FB0] =	sst s2  }
0xb: {  	[smem:$0x3FB1] =	sst s3  }
0xc: {  	[smem:$0x3FB2] =	sst s4  }
0xd: {  	[smem:$0x3FB3] =	sst s5  }
0xe: {  	[smem:$0x3FB4] =	sst s6  }
0xf: {  	[smem:$0x3FB5] =	sst s7  }
0x10: {  	[smem:$0x3FB6] =	sst s8  }
0x11: {  	[smem:$0x3FB7] =	sst s9;
	s0 =	simm.s32 @!p0 $0x0  }
0x12: {  	s1 =	sld [smem:$0x3F9D];
	s0 =	simm.s32 @p0 $0x1  }
0x13: {  	[smem:$0x3FB8] =	sst s0;
	s0 =	simm.s32 @!p1 $0x0  }
0x14: {  	s2 =	sld [smem:$0x3F9C];
	s0 =	simm.s32 @p1 $0x1  }
0x15: {  	[smem:$0x3FB9] =	sst s0;
	s0 =	simm.s32 @!p2 $0x0  }
0x16: {  	s3 =	sld [smem:$0x3FDB];
	s0 =	simm.s32 @p2 $0x1  }
0x17: {  	s4 =	simm.s32 $0x1BF5;
	[smem:$0x3FBB] =	sst s0  }
0x18: {  	s0 =	sld [smem:$0x3F9E];
	_ =	swait.ge [sflag:s4], $0x0  }
0x19: {  	s7 =	sld [smem:$0x3F9F]  }
0x1a: {  	s8 =	sadd.s32 $0xFFFFE003, lr  }
0x1b: {  	s9 =	sadd.s32 $0xFFFFFEF7, lr;
	s5 =	simm.s32 $0xFFFFFFFF;
	p2 =	slt.u32 s8, $0xFFFFF086  }
0x1c: {  	p1 =	slt.u32 s9, $0xF7A;
	s5 =	simm.s32 @!p2 $0x0  }
0x1d: {  	s5 =	simm.s32 @p1 $0x1;
	p0 =	seq.s32 s7, s2  }
0x1e: {  	s7 =	smul.u32 @!p0 $0xF7A, s2;
	p2 =	seq.s32 @!p0 s5, $0x0  }
0x1f: {  	s9 =	smul.u32 $0xF7A, s1;
	s8 =	simm.s32 @!p0 $0x1BF5;
	p2 =	por !p2, p0  }
0x20: {  	[sflag:s8] =	ssyncset.s32 @!p0 $0xFFFFF086;
	s6 =	sadd.s32 @!p0 s3, s7;
	s7 =	simm.s32 @!p0 $0x108  }
0x21: {  	s3 =	sadd.s32 s3, s9;
	s6 =	sadd.s32 @!p0 $0x88, s6;
	s7 =	simm.s32 @p2 $0x1082  }
0x22: {  	[simem:s7], [sflag:s8] =	dma.local @!p0 [hbm:s6], $0xF7A  }
0x23: {  	s9 =	sor.u32 $0xD0000000, s2;
	s6 =	simm.s32 $0x108;
	_ =	swait.ge @!p0 [sflag:s8], $0x0  }
0x24: {  	s3 =	sadd.s32 $0x88, s3;
	s6 =	simm.s32 @!p1 $0x1082;
	[sflag:s4] =	ssyncset.s32 $0xFFFFF086  }
0x25: {  	[simem:s6], [sflag:s4] =	dma.local [hbm:s3], $0xF7A  }
0x26: {  	[smem:$0x3F9F] =	sst s1;
	(tag) =	ssettag s2;
	_ =	strace s9  }
0x27: {  	s1 =	sld [smem:$0x3FAF]  }
0x28: {  	s2 =	sld [smem:$0x3FB0]  }
0x29: {  	s4 =	sld [smem:$0x3FB2]  }
0x2a: {  	p0 =	seq.s32 s5, $0x0;
	s5 =	sld [smem:$0x3FB3]  }
0x2b: {  	s6 =	sld [smem:$0x3FB4]  }
0x2c: {  	s7 =	sld [smem:$0x3FB5]  }
0x2d: {  	s3 =	simm.s32 $0x108;
	s8 =	sld [smem:$0x3FB6]  }
0x2e: {  	s3 =	simm.s32 @!p0 $0x1082;
	s9 =	sld [smem:$0x3FB7]  }
0x2f: {  	lr =	sadd.s32 s0, s3;
	s0 =	sld [smem:$0x3FAE]  }
0x30: {  	s3 =	sld [smem:$0x3FB1]  }
0x31: {  	[smem:$0x3FBA] =	sst s10  }
0x32: {  	s10 =	sld [smem:$0x3FB8];
	_ =	sdelay $0x3  }
0x33: {  	p0 =	seq.s32 s10, $0x1;
	s10 =	sld [smem:$0x3FBA];
	_ =	sdelay $0x3  }
0x34: {  	[smem:$0x3FBA] =	sst s10  }
0x35: {  	s10 =	sld [smem:$0x3FB9];
	_ =	sdelay $0x3  }
0x36: {  	p1 =	seq.s32 s10, $0x1;
	s10 =	sld [smem:$0x3FBA];
	_ =	sdelay $0x3  }
0x37: {  	[smem:$0x3FBA] =	sst s10  }
0x38: {  	s10 =	sld [smem:$0x3FBB]  }
0x39: {  	_ = 	snop;
	(pc) =	sbr.ind lr, $3  }
0x3a: {  	_ = 	snop  }
0x3b: {  	_ = 	snop  }
0x3c: {  	p2 =	seq.s32 s10, $0x1;
	s10 =	sld [smem:$0x3FBA]  }
0x3d: {  	_ =	shalt  }
0x3e: {  	_ =	shalt  }
0x3f: {  	_ =	shalt  }
0x40: {  	_ =	shalt  }
0x41: {  	_ =	shalt  }
0x42: {  	_ =	shalt  }
0x43: {  	_ =	shalt  }
0x44: {  	_ =	shalt  }
0x45: {  	_ =	shalt  }
0x46: {  	_ =	shalt  }
0x47: {  	_ =	shalt  }
0x48: {  	_ =	shalt  }
0x49: {  	_ =	shalt  }
0x4a: {  	_ =	shalt  }
0x4b: {  	_ =	shalt  }
0x4c: {  	_ =	shalt  }
0x4d: {  	_ =	shalt  }
0x4e: {  	_ =	shalt  }
0x4f: {  	_ =	shalt  }
0x50: {  	_ =	shalt  }
0x51: {  	_ =	shalt  }
0x52: {  	_ =	shalt  }
0x53: {  	_ =	shalt  }
0x54: {  	_ =	shalt  }
0x55: {  	_ =	shalt  }
0x56: {  	_ =	shalt  }
0x57: {  	_ =	shalt  }
0x58: {  	_ =	shalt  }
0x59: {  	_ =	shalt  }
0x5a: {  	_ =	shalt  }
0x5b: {  	_ =	shalt  }
0x5c: {  	_ =	shalt  }
0x5d: {  	_ =	shalt  }
0x5e: {  	_ =	shalt  }
0x5f: {  	_ =	shalt  }
0x60: {  	_ =	shalt  }
0x61: {  	_ =	shalt  }
0x62: {  	_ =	shalt  }
0x63: {  	_ =	shalt  }
0x64: {  	_ =	shalt  }
0x65: {  	_ =	shalt  }
0x66: {  	_ =	shalt  }
0x67: {  	_ =	shalt  }
0x68: {  	_ =	shalt  }
0x69: {  	_ =	shalt  }
0x6a: {  	_ =	shalt  }
0x6b: {  	_ =	shalt  }
0x6c: {  	_ =	shalt  }
0x6d: {  	_ =	shalt  }
0x6e: {  	_ =	shalt  }
0x6f: {  	_ =	shalt  }
0x70: {  	_ =	shalt  }
0x71: {  	_ =	shalt  }
0x72: {  	_ =	shalt  }
0x73: {  	_ =	shalt  }
0x74: {  	_ =	shalt  }
0x75: {  	_ =	shalt  }
0x76: {  	_ =	shalt  }
0x77: {  	_ =	shalt  }
0x78: {  	_ =	shalt  }
0x79: {  	_ =	shalt  }
0x7a: {  	_ =	shalt  }
0x7b: {  	_ =	shalt  }
0x7c: {  	_ =	shalt  }
0x7d: {  	_ =	shalt  }
0x7e: {  	_ =	shalt  }
0x7f: {  	_ =	shalt  }
0x80: {  	_ =	shalt  }
0x81: {  	_ =	shalt  }
0x82: {  	_ =	shalt  }
0x83: {  	_ =	shalt  }
0x84: {  	_ =	shalt  }
0x85: {  	_ =	shalt  }
0x86: {  	_ =	shalt  }
0x87: {  	_ =	shalt  }
.Lfunc_end0:
.L_simem_size_0:
called_computation.1_lowered:
.L_overlay_start_0:
0x88: {  	s2 =	sld [smem:$0x3FD9]  }
0x89: {  	s3 =	sld [smem:$0x3FFE];
	_ =	sdelay $0x1  }
0x8a: {  	s1 =	srdreg.scid  }
0x8b: {  	s0 =	sand.u32 $0x1, s1  }
0x8c: {  	s17 =	sshll.u32 s0, $0xA;
	s2 =	sadd.s32 s3, s2  }
0x8d: {  	s2 =	sadd.s32 s2, s17  }
0x8e: {  	[smem:$0x3FC6] =	sst s2  }
0x8f: {  	_ = 	snop  }
0x90: {  	s2 =	sld [smem:$0x3FC8]  }
0x91: {  	s18 =	sld [smem:$0x3FD0];
	(tm) =	ssettm $0x1  }
0x92: {  	s4 =	sld [smem:$0x3FFB];
	_ =	sdelay $0x3  }
0x93: {  	_ =	strace s4  }
0x94: {  	s4 =	sld [smem:$0x3FFC];
	_ =	sdelay $0x3  }
0x95: {  	_ =	strace s4  }
0x96: {  	s4 =	sld [smem:$0x3FFD];
	_ =	sdelay $0x3  }
0x97: {  	_ =	strace s4  }
0x98: {  	_ =	strace $0x8FFFFFFF  }
0x99: {  	s19 =	sld [smem:$0x3FDB];
	_ =	sdelay $0x1  }
0x9a: {  	s5 =	simm.s32 $_scs_section_size  }
0x9b: {  	s6 =	simm.s32 $_size__tile_overlayer_lowered;
	s7 =	simm.s32 $_tile_overlayer_lowered  }
0x9c: {  	s22 =	simm.s32 $0x1BFF;
	s21 =	sshll.u32 s7, $0x1;
	s4 =	sadd.s32 s5, s19  }
0x9d: {  	s8 =	simm.s32 $0x0;
	s20 =	sshll.u32 s6, $0x1;
	s6 =	sadd.s32 s21, s4  }
0x9e: {  	[timem:s8], [sflag:s22] =	dma.local [hbm:s6], s20  }
0x9f: {  	_ =	swait.ge [sflag:s22], s20  }
0xa0: {  	s5 =	ssub.s32 $0x0, s20;
	[sflag:s22] =	ssyncset.done $0x0  }
0xa1: {  	[sflag:s22] =	ssyncadd.s32 s5;
	_ =	sdelay $0x1  }
0xa2: {  	s23 =	simm.s32 $0x1B8B  }
0xa3: {  	_ =	swait.ge [sflag:s23], $0x1  }
0xa4: {  	[sflag:s23] =	ssyncset.done $0x0  }
0xa5: {  	s25 =	simm.s32 $0x1B8E;
	s24 =	sld [smem:$0x3FFE];
	[sflag:s23] =	ssyncadd.s32 $0xFFFFFFFF  }
0xa6: {  	s26 =	simm.s32 $execute0_lowered;
	[smem:$0x3FD2] =	sst s25  }
0xa7: {  	s6 =	sshll.u32 s26, $0x1;
	_ =	strace $0x80000046;
	[dreg:$0x1] =	wrdreg $0xFFFFFFFF  }
0xa8: {  	s28 =	simm.s32 $_size_execute0_lowered;
	s4 =	sadd.s32 s4, s6;
	[dreg:$0x0] =	wrdreg $0x0  }
0xa9: {  	s6 =	sshll.u32 s28, $0x1;
	[dreg:$0x2] =	wrdreg s4  }
0xaa: {  	[dreg:$0x3] =	wrdreg s6  }
0xab: {  	[dreg:$0x4] =	wrdreg $0xC0  }
0xac: {  	_ =	task [dreg:s8], $0x5FFFF  }
0xad: {  	[dreg:$0x1] =	wrdreg $0xFFFFFFFF  }
0xae: {  	[dreg:$0x0] =	wrdreg $0x60  }
0xaf: {  	[dreg:$0x2] =	wrdreg s24  }
0xb0: {  	[dreg:$0x3] =	wrdreg s2  }
0xb1: {  	[dreg:$0x4] =	wrdreg s18  }
0xb2: {  	[dreg:$0x5] =	wrdreg $0x800  }
0xb3: {  	[dreg:$0x6] =	wrdreg $0x9  }
0xb4: {  	_ =	task.clear_ibuf [dreg:s8], $0x7FFFF;
	_ =	strace $0x90000046  }
0xb5: {  	s29 =	simm.s32 $0x9;
	_ =	strace $0x80000048  }
0xb6: {  	_ =	swait.ge [sflag:s29], $0x1  }
0xb7: {  	[sflag:s29] =	ssyncadd.s32 $0xFFFFFFFF  }
0xb8: {  	_ =	strace $0x90000048  }
0xb9: {  	_ =	sfence  }
0xba: {  	s30 =	sld [smem:$0x0];
	_ =	sdelay $0x2  }
0xbb: {  	s31 =	sshll.u32 s1, $0xD;
	s1 =	sshrl.u32 s1, $0x2  }
0xbc: {  	s3 =	sand.u32 $0x4000, s31;
	s1 =	sadd.s32 s1, s30  }
0xbd: {  	s0 =	sor.u32 s3, s0;
	s1 =	sshll.u32 s1, $0x11  }
0xbe: {  	s0 =	sor.u32 s1, s0  }
0xbf: {  	s0 =	sadd.s32 $0x8F2B, s0  }
0xc0: {  	[sflag:s0] =	ssyncadd.remote.s32 $0x1  }
0xc1: {  	_ =	sfence.sel $0xFFFF  }
0xc2: {  	[dreg:$0x0] =	wrdreg $0xFFFFFFFF;
	(pc) =	sbr.abs _section_cstart, $3  }
0xc3: {  	[dreg:$0x1] =	wrdreg $0xFFFFFFFF  }
0xc4: {  	_ =	task.clear_ibuf [dreg:s8], $0x2FFFF;
	_ =	strace $0x9FFFFFFF  }
0xc5: {  	(tm) =	ssettm $0x7FFFFFFF  }
tec
execute0_lowered:
.L_overlay_start_1:
0x0: {  	(tag) =	ssettag $0x1  }
0x1: {  	s4 =	rddreg [dreg:$0x0];
	s0 =	srdreg.scid  }
0x2: {  	s1 =	rddreg [dreg:$0x1];
	s9 =	stileid.u32;
	s19 =	sand.u32 $0x1, s0  }
0x3: {  	s12 =	rddreg [dreg:$0x2];
	s28 =	sshll.u32 s9, $0x4;
	s3 =	sshll.u32 s19, $0x3  }
0x4: {  	s2 =	rddreg [dreg:$0x3];
	s13 =	sor.u32 s3, s28  }
0x5: {  	s0 =	rddreg [dreg:$0x4];
	s3 =	simm.s32 $0x0;
	s5 =	sshrl.u32 s13, $0x3  }
0x6: {  	[smem:$0x7FF] =	sst s3;
	s4 =	sadd.s32 s5, s4  }
0x7: {  	_ =	strace $0x80000047;
	s5 =	simm.s32 $0x2;
	s4 =	sadd.s32 $0xC00, s4  }
0x8: {  	[tilespmem:s3], [sflag:$0x2] =	stream.linear.gather [hbm4b:s4+s3], $0x10, $0x38;
	[tilespmem:$0x3C80] =	vst v63  }
0x9: {  	p0 =	sne.s32 s9, $0x0;
	_ =	swait.ge [sflag:s5], $0x10  }
0xa: {  	s6 =	sshrl.u32 @!p0 s2, $0x3;
	[sflag:s5] =	ssyncset.done $0x0  }
0xb: {  	s7 =	simm.s32 @!p0 $0x1C02;
	s8 =	simm.s32 @!p0 $0x2;
	[sflag:s5] =	ssyncadd.s32 $0xFFFFFFF0  }
0xc: {  	[spmem:s6], [sflag:s7] =	dma.local @!p0 [hbm:s1], $0x9000  }
0xd: {  	_ =	swait.ge @!p0 [sflag:s8], $0x9000  }
0xe: {  	[sflag:s8] =	ssyncset.done @!p0 $0x0  }
0xf: {  	[sflag:s8] =	ssyncadd.s32 @!p0 $0xFFFF7000  }
0x10: {  	[bflag:$0x0] =	sbarrier.arrive $0xFFFF  }
0x11: {  	v0 =	vld [tilespmem:$0x0];
	_ =	sdelay $0x4  }
0x12: {  	v0 =	vmul.u32 $0x60000, v0;
	_ =	sdelay $0x1  }
0x13: {  	v0 =	vshra.s32 v0, $0x2  }
0x14: {  	v0 =	vadd.s32 s2, v0  }
0x15: {  	v0 =	vshrl.u32 v0, $0x3  }
0x16: {  	(v2sf) =	vpush v0, $0x7  }
0x17: {  	(v2sf) =	vpush v0, $0x6  }
0x18: {  	(v2sf) =	vpush v0, $0x5  }
0x19: {  	(v2sf) =	vpush v0, $0x4  }
0x1a: {  	(v2sf) =	vpush v0, $0x3  }
0x1b: {  	(v2sf) =	vpush v0, $0x2  }
0x1c: {  	(v2sf) =	vpush v0, $0x0;
	_ =	sdelay $0x1  }
0x1d: {  	(v2sf) =	vpush v0, $0x1;
	_ =	sdelay $0x6  }
0x1e: {  	s20 =	spop (v2sf)  }
0x1f: {  	s14 =	spop (v2sf)  }
0x20: {  	s10 =	smul.u32 $0x3000, s13;
	s17 =	spop (v2sf)  }
0x21: {  	s13 =	smul.u32 $0x18000, s13;
	s16 =	spop (v2sf)  }
0x22: {  	s11 =	sshll.u32 s9, $0x6;
	s9 =	sadd.s32 s12, s10;
	s15 =	spop (v2sf)  }
0x23: {  	s10 =	sor.u32 $0x1C01, s11;
	s13 =	sshrl.u32 s13, $0x3;
	s18 =	spop (v2sf)  }
0x24: {  	s11 =	sadd.s32 $0x3000, s9;
	s30 =	sadd.s32 s12, s13;
	s29 =	spop (v2sf)  }
0x25: {  	[hbm:s9], [sflag:s10] =	dma.local [spmem:s29], $0x3000  }
0x26: {  	s12 =	sadd.s32 $0x6000, s9;
	s13 =	sadd.s32 $0x9000, s30;
	s21 =	spop (v2sf)  }
0x27: {  	[hbm:s11], [sflag:s10] =	dma.local [spmem:s21], $0x3000  }
0x28: {  	[hbm:s12], [sflag:s10] =	dma.local [spmem:s18], $0x3000  }
0x29: {  	[hbm:s13], [sflag:s10] =	dma.local [spmem:s15], $0x3000  }
0x2a: {  	s15 =	sadd.s32 $0xC000, s30  }
0x2b: {  	[hbm:s15], [sflag:s10] =	dma.local [spmem:s16], $0x3000  }
0x2c: {  	s16 =	sadd.s32 $0xF000, s30  }
0x2d: {  	[hbm:s16], [sflag:s10] =	dma.local [spmem:s17], $0x3000  }
0x2e: {  	s17 =	sadd.s32 $0x12000, s30  }
0x2f: {  	[hbm:s17], [sflag:s10] =	dma.local [spmem:s14], $0x3000  }
0x30: {  	s18 =	sadd.s32 $0x15000, s30;
	s14 =	simm.s32 $0x1  }
0x31: {  	[hbm:s18], [sflag:s10] =	dma.local [spmem:s20], $0x3000  }
0x32: {  	_ =	swait.ge [sflag:s14], $0x3000  }
0x33: {  	[sflag:s14] =	ssyncset.done $0x0  }
0x34: {  	[sflag:s14] =	ssyncadd.s32 $0xFFFFD000  }
0x35: {  	_ =	swait.ge [sflag:s14], $0x3000  }
0x36: {  	[sflag:s14] =	ssyncset.done $0x0  }
0x37: {  	s19 =	ssub.s32 $0x2, s19;
	[sflag:s14] =	ssyncadd.s32 $0xFFFFD000  }
0x38: {  	s31 =	sshrl.u32 s19, $0x1;
	_ =	swait.ge [sflag:s14], $0x3000  }
0x39: {  	s19 =	ssub.s32 s19, s31;
	[sflag:s14] =	ssyncset.done $0x0  }
0x3a: {  	s19 =	smax.u32 s19, $0x1;
	[sflag:s14] =	ssyncadd.s32 $0xFFFFD000  }
0x3b: {  	s19 =	sadd.s32 $0xFFFFFFFF, s19;
	_ =	swait.ge [sflag:s14], $0x3000  }
0x3c: {  	p1 =	sne.s32 s19, $0x0;
	[sflag:s14] =	ssyncset.done $0x0  }
.Ltmp0:
0x3d: {  	[sflag:s14] =	ssyncadd.s32 $0xFFFFD000;
	(pc) =	sbr.rel @!p1 .LBB2_2-.Ltmp0, $4  }
0x3e: {  	_ =	swait.ge [sflag:s14], $0x3000  }
0x3f: {  	[sflag:s14] =	ssyncset.done $0x0  }
0x40: {  	[sflag:s14] =	ssyncadd.s32 $0xFFFFD000  }
0x41: {  	_ =	swait.ge [sflag:s14], $0x3000  }
.LBB2_1:
0x42: {  	s19 =	sadd.s32 $0xFFFFFFFF, s19;
	[sflag:s14] =	ssyncset.done $0x0  }
0x43: {  	p1 =	sne.s32 s19, $0x0;
	[sflag:s14] =	ssyncadd.s32 $0xFFFFD000  }
0x44: {  	_ =	swait.ge [sflag:s14], $0x3000  }
0x45: {  	[sflag:s14] =	ssyncset.done $0x0  }
0x46: {  	[sflag:s14] =	ssyncadd.s32 $0xFFFFD000  }
0x47: {  	_ =	swait.ge [sflag:s14], $0x3000  }
0x48: {  	[sflag:s14] =	ssyncset.done $0x0  }
0x49: {  	[sflag:s14] =	ssyncadd.s32 $0xFFFFD000  }
0x4a: {  	[tilespmem:s3], [sflag:$0x2] =	stream.linear.gather [hbm4b:s4+s3], $0x10, $0x38;
	[tilespmem:$0x3C80] =	vst v63  }
0x4b: {  	_ =	swait.ge [sflag:s5], $0x10  }
0x4c: {  	[sflag:s5] =	ssyncset.done $0x0  }
0x4d: {  	[sflag:s5] =	ssyncadd.s32 $0xFFFFFFF0  }
0x4e: {  	[spmem:s6], [sflag:s7] =	dma.local @!p0 [hbm:s1], $0x9000  }
0x4f: {  	_ =	swait.ge @!p0 [sflag:s8], $0x9000  }
0x50: {  	[sflag:s8] =	ssyncset.done @!p0 $0x0  }
0x51: {  	[sflag:s8] =	ssyncadd.s32 @!p0 $0xFFFF7000  }
0x52: {  	[bflag:$0x0] =	sbarrier.arrive $0xFFFF  }
0x53: {  	v0 =	vld [tilespmem:$0x0];
	_ =	sdelay $0x4  }
0x54: {  	v0 =	vmul.u32 $0x60000, v0;
	_ =	sdelay $0x1  }
0x55: {  	v0 =	vshra.s32 v0, $0x2  }
0x56: {  	v0 =	vadd.s32 s2, v0  }
0x57: {  	v0 =	vshrl.u32 v0, $0x3  }
0x58: {  	(v2sf) =	vpush v0, $0x7  }
0x59: {  	(v2sf) =	vpush v0, $0x6  }
0x5a: {  	(v2sf) =	vpush v0, $0x5  }
0x5b: {  	(v2sf) =	vpush v0, $0x4  }
0x5c: {  	(v2sf) =	vpush v0, $0x3  }
0x5d: {  	(v2sf) =	vpush v0, $0x2  }
0x5e: {  	(v2sf) =	vpush v0, $0x0;
	_ =	sdelay $0x1  }
0x5f: {  	(v2sf) =	vpush v0, $0x1;
	_ =	sdelay $0x6  }
0x60: {  	s20 =	spop (v2sf)  }
0x61: {  	s21 =	spop (v2sf)  }
0x62: {  	s22 =	spop (v2sf)  }
0x63: {  	s23 =	spop (v2sf)  }
0x64: {  	s24 =	spop (v2sf)  }
0x65: {  	s25 =	spop (v2sf)  }
0x66: {  	s26 =	spop (v2sf)  }
0x67: {  	[hbm:s9], [sflag:s10] =	dma.local [spmem:s26], $0x3000  }
0x68: {  	s26 =	spop (v2sf)  }
0x69: {  	[hbm:s11], [sflag:s10] =	dma.local [spmem:s26], $0x3000  }
0x6a: {  	[hbm:s12], [sflag:s10] =	dma.local [spmem:s25], $0x3000  }
0x6b: {  	[hbm:s13], [sflag:s10] =	dma.local [spmem:s24], $0x3000  }
0x6c: {  	[hbm:s15], [sflag:s10] =	dma.local [spmem:s23], $0x3000  }
0x6d: {  	[hbm:s16], [sflag:s10] =	dma.local [spmem:s22], $0x3000  }
0x6e: {  	[hbm:s17], [sflag:s10] =	dma.local [spmem:s21], $0x3000  }
0x6f: {  	[hbm:s18], [sflag:s10] =	dma.local [spmem:s20], $0x3000  }
0x70: {  	_ =	swait.ge [sflag:s14], $0x3000  }
0x71: {  	[sflag:s14] =	ssyncset.done $0x0  }
0x72: {  	[sflag:s14] =	ssyncadd.s32 $0xFFFFD000  }
0x73: {  	_ =	swait.ge [sflag:s14], $0x3000  }
0x74: {  	[sflag:s14] =	ssyncset.done $0x0  }
0x75: {  	[sflag:s14] =	ssyncadd.s32 $0xFFFFD000  }
0x76: {  	_ =	swait.ge [sflag:s14], $0x3000  }
0x77: {  	[sflag:s14] =	ssyncset.done $0x0  }
0x78: {  	[sflag:s14] =	ssyncadd.s32 $0xFFFFD000  }
0x79: {  	_ =	swait.ge [sflag:s14], $0x3000  }
0x7a: {  	[sflag:s14] =	ssyncset.done $0x0  }
.Ltmp1:
0x7b: {  	[sflag:s14] =	ssyncadd.s32 $0xFFFFD000;
	(pc) =	sbr.rel @p1 .LBB2_1-.Ltmp1, $4  }
0x7c: {  	_ =	swait.ge [sflag:s14], $0x3000  }
0x7d: {  	[sflag:s14] =	ssyncset.done $0x0  }
0x7e: {  	[sflag:s14] =	ssyncadd.s32 $0xFFFFD000  }
0x7f: {  	_ =	swait.ge [sflag:s14], $0x3000  }
.LBB2_2:
0x80: {  	[sflag:s14] =	ssyncset.done $0x0  }
0x81: {  	[sflag:s14] =	ssyncadd.s32 $0xFFFFD000  }
0x82: {  	_ =	swait.ge [sflag:s14], $0x3000  }
0x83: {  	[sflag:s14] =	ssyncset.done $0x0  }
0x84: {  	[sflag:s14] =	ssyncadd.s32 $0xFFFFD000  }
0x85: {  	_ =	swait.ge [sflag:s14], $0x3000  }
0x86: {  	[sflag:s14] =	ssyncset.done $0x0  }
0x87: {  	[sflag:s14] =	ssyncadd.s32 $0xFFFFD000  }
0x88: {  	_ =	sfence.sel $0x180000  }
0x89: {  	[bflag:$0x0] =	sbarrier.arrive $0xFFFF  }
0x8a: {  	_ =	strace $0x90000047  }
0x8b: {  	s0 =	sadd.s32 @!p0 $0x100000, s0;
	[bflag:$0x2] =	sbarrier.arrive $0xFFFF  }
0x8c: {  	[sflag:s0] =	ssyncadd.tile.s32 @!p0 $0x1;
	_ =	shalt  }
.Lfunc_end2:
_tile_overlayer_lowered:
.L_overlay_start_2:
0x8d: {  	(tag) =	ssettag $0x2  }
0x8e: {  	s0 =	rddreg [dreg:$0x0];
	s2 =	stileid.u32  }
0x8f: {  	s1 =	rddreg [dreg:$0x1];
	p0 =	sne.s32 s2, $0x0  }
0x90: {  	s3 =	rddreg [dreg:$0x2];
	[bflag:$0x3] =	sbarrier.arrive $0xFFFF;
	s2 =	simm.s32 @!p0 $0x1C02  }
0x91: {  	[timem:s3], [sflag:s2] =	dma.local @!p0 [hbm:s0], s1  }
0x92: {  	s0 =	simm.s32 @!p0 $0x2  }
0x93: {  	_ =	swait.ge @!p0 [sflag:s0], s1  }
0x94: {  	s1 =	ssub.s32 @!p0 $0x0, s1;
	[sflag:s0] =	ssyncset.done @!p0 $0x0  }
0x95: {  	[sflag:s0] =	ssyncadd.s32 @!p0 s1  }
0x96: {  	[bflag:$0x3] =	sbarrier.arrive $0xFFFF  }
0x97: {  	_ =	shalt  }

// kernel: sparse-core-data-format-call.cloned.1.call-start
scs
called_computation_lowered:
.L_overlay_start_0:
0x0: {  	s2 =	sld [smem:$0x3FD9]  }
0x1: {  	s3 =	sld [smem:$0x3FFE];
	_ =	sdelay $0x1  }
0x2: {  	s1 =	srdreg.scid  }
0x3: {  	s0 =	sand.u32 $0x1, s1  }
0x4: {  	s18 =	sshll.u32 s0, $0xA;
	s2 =	sadd.s32 s3, s2  }
0x5: {  	s2 =	sadd.s32 s2, s18  }
0x6: {  	[smem:$0x3FC6] =	sst s2  }
0x7: {  	_ = 	snop  }
0x8: {  	s2 =	sld [smem:$0x3FD0];
	(tm) =	ssettm $0x1  }
0x9: {  	s19 =	sld [smem:$0x3FFB];
	_ =	sdelay $0x3  }
0xa: {  	_ =	strace s19  }
0xb: {  	s3 =	sld [smem:$0x3FFC];
	_ =	sdelay $0x3  }
0xc: {  	_ =	strace s3  }
0xd: {  	s3 =	sld [smem:$0x3FFD];
	_ =	sdelay $0x3  }
0xe: {  	_ =	strace s3  }
0xf: {  	_ =	strace $0x8FFFFFFF  }
0x10: {  	s20 =	sld [smem:$0x3FDB];
	_ =	sdelay $0x1  }
0x11: {  	s4 =	simm.s32 $_scs_section_size  }
0x12: {  	s5 =	simm.s32 $_size__tile_overlayer_lowered;
	s6 =	simm.s32 $_tile_overlayer_lowered  }
0x13: {  	s23 =	simm.s32 $0x1BFF;
	s22 =	sshll.u32 s6, $0x1;
	s3 =	sadd.s32 s4, s20  }
0x14: {  	s7 =	simm.s32 $0x0;
	s21 =	sshll.u32 s5, $0x1;
	s5 =	sadd.s32 s22, s3  }
0x15: {  	[timem:s7], [sflag:s23] =	dma.local [hbm:s5], s21  }
0x16: {  	_ =	swait.ge [sflag:s23], s21  }
0x17: {  	s4 =	ssub.s32 $0x0, s21;
	[sflag:s23] =	ssyncset.done $0x0  }
0x18: {  	[sflag:s23] =	ssyncadd.s32 s4;
	_ =	sdelay $0x1  }
0x19: {  	s24 =	simm.s32 $0x1B8B  }
0x1a: {  	_ =	swait.ge [sflag:s24], $0x1  }
0x1b: {  	[sflag:s24] =	ssyncset.done $0x0  }
0x1c: {  	s26 =	simm.s32 $0x1B8E;
	s25 =	sld [smem:$0x3FFE];
	[sflag:s24] =	ssyncadd.s32 $0xFFFFFFFF  }
0x1d: {  	s27 =	simm.s32 $execute0_lowered;
	[smem:$0x3FD2] =	sst s26  }
0x1e: {  	s5 =	sshll.u32 s27, $0x1;
	_ =	strace $0x80000049;
	[dreg:$0x1] =	wrdreg $0xFFFFFFFF  }
0x1f: {  	s28 =	simm.s32 $_size_execute0_lowered;
	s3 =	sadd.s32 s3, s5;
	[dreg:$0x0] =	wrdreg $0x0  }
0x20: {  	s5 =	sshll.u32 s28, $0x1;
	[dreg:$0x2] =	wrdreg s3  }
0x21: {  	[dreg:$0x3] =	wrdreg s5  }
0x22: {  	[dreg:$0x4] =	wrdreg $0xC0  }
0x23: {  	_ =	task [dreg:s7], $0x5FFFF  }
0x24: {  	[dreg:$0x1] =	wrdreg $0xFFFFFFFF  }
0x25: {  	[dreg:$0x0] =	wrdreg $0x60  }
0x26: {  	[dreg:$0x2] =	wrdreg s25  }
0x27: {  	[dreg:$0x3] =	wrdreg s2  }
0x28: {  	[dreg:$0x4] =	wrdreg $0x9  }
0x29: {  	_ =	task.clear_ibuf [dreg:s7], $0x5FFFF;
	_ =	strace $0x90000049  }
0x2a: {  	s29 =	simm.s32 $0x9;
	_ =	strace $0x8000004B  }
0x2b: {  	_ =	swait.ge [sflag:s29], $0x1  }
0x2c: {  	[sflag:s29] =	ssyncadd.s32 $0xFFFFFFFF  }
0x2d: {  	_ =	strace $0x9000004B  }
0x2e: {  	_ =	sfence  }
0x2f: {  	s30 =	sld [smem:$0x0];
	_ =	sdelay $0x2  }
0x30: {  	s31 =	sshll.u32 s1, $0xD;
	s1 =	sshrl.u32 s1, $0x2  }
0x31: {  	s3 =	sand.u32 $0x4000, s31;
	s1 =	sadd.s32 s1, s30  }
0x32: {  	s0 =	sor.u32 s3, s0;
	s1 =	sshll.u32 s1, $0x11  }
0x33: {  	s0 =	sor.u32 s1, s0  }
0x34: {  	s0 =	sadd.s32 $0x8F2B, s0  }
0x35: {  	[sflag:s0] =	ssyncadd.remote.s32 $0x1  }
0x36: {  	_ =	sfence.sel $0xFFFF  }
0x37: {  	[dreg:$0x0] =	wrdreg $0xFFFFFFFF;
	(pc) =	sbr.abs _section_cstart, $3  }
0x38: {  	[dreg:$0x1] =	wrdreg $0xFFFFFFFF  }
0x39: {  	_ =	task.clear_ibuf [dreg:s7], $0x2FFFF;
	_ =	strace $0x9FFFFFFF  }
0x3a: {  	(tm) =	ssettm $0x7FFFFFFF  }
0x3b: {  	_ =	shalt  }
tec
execute0_lowered:
.L_overlay_start_1:
0x0: {  	(tag) =	ssettag $0x1  }
0x1: {  	s0 =	stileid.u32;
	s1 =	srdreg.scid  }
0x2: {  	s2 =	sshll.u32 s0, $0x7;
	s3 =	sshll.u32 s0, $0x4;
	s4 =	sshll.u32 s1, $0x8  }
0x3: {  	s7 =	rddreg [dreg:$0x0];
	s1 =	sand.u32 $0x380, s2;
	s29 =	sor.u32 s3, s4  }
0x4: {  	s8 =	simm.s32 $0x2;
	s2 =	sand.u32 $0x180, s29;
	s30 =	ssub.s32 $0x400, s1  }
0x5: {  	s15 =	simm.s32 $0x0;
	s31 =	sand.u32 $0x380, s30;
	s5 =	ssub.s32 $0x1000, s2  }
0x6: {  	s4 =	simm.s32 $0x1;
	p0 =	sne.s32 s31, $0x0;
	s6 =	sand.u32 $0x180, s5  }
0x7: {  	s4 =	simm.s32 @!p0 $0x0;
	p0 =	sne.s32 s6, $0x0;
	s6 =	simm.s32 $0x1  }
0x8: {  	s3 =	sshrl.u32 s30, $0xA;
	s5 =	sshrl.u32 s5, $0x9;
	s6 =	simm.s32 @!p0 $0x0  }
0x9: {  	s9 =	simm.s32 $0x8000;
	s3 =	sadd.s32 s4, s3;
	s5 =	sadd.s32 s6, s5  }
0xa: {  	s10 =	simm.s32 $0x0;
	s16 =	simm.s32 $0x0;
	s6 =	smul.u32 s5, s3  }
.Ltmp0:
0xb: {  	s17 =	simm.s32 $0x0;
	s4 =	rddreg [dreg:$0x1];
	(pc) =	sbr.rel .LBB1_1-.Ltmp0, $4  }
0xc: {  	s12 =	simm.s32 $0x0;
	s14 =	simm.s32 $0x0;
	s3 =	rddreg [dreg:$0x2]  }
0xd: {  	_ =	strace $0x8000004A;
	s5 =	simm.s32 $0x1;
	s6 =	smul.u32 $0x14, s6  }
0xe: {  	s7 =	sadd.s32 $0xE00, s7;
	s13 =	smov.u32 s1;
	[sflag:s5] =	ssyncpa.u1 $0x0  }
0xf: {  	s11 =	smov.u32 s2;
	[sflag:s8] =	ssyncpa.u1 $0x0;
	s8 =	sor.u32 $0x1, s6  }
.LBB1_4:
0x10: {  	_ =	sdelay $0x3  }
0x11: {  	[tilespmem:v0+s20+$0xFFFFFFD0 ss:$0x1] =	vst.idx.msk $0xffff, v6  }
0x12: {  	v56 =	vld.idx.msk [tilespmem:v1+s19+$0x0 ss:$0x1], $0xffff;
	[tilespmem:v0+s20+$0xFFFFFFE0 ss:$0x1] =	vst.idx.msk $0xffff, v4  }
0x13: {  	v57 =	vld.idx.msk [tilespmem:v1+s19+$0xFFFFFF90 ss:$0x1], $0xffff;
	[tilespmem:v0+s20+$0xFFFFFFF0 ss:$0x1] =	vst.idx.msk $0xffff, v2  }
0x14: {  	v58 =	vld.idx.msk [tilespmem:v1+s19+$0xFFFFFFA0 ss:$0x1], $0xffff;
	[tilespmem:v0+s20+$0x0 ss:$0x1] =	vst.idx.msk $0xffff, v3  }
0x15: {  	v59 =	vld.idx.msk [tilespmem:v1+s19+$0xFFFFFFB0 ss:$0x1], $0xffff;
	[tilespmem:v0+s20+$0x10 ss:$0x1] =	vst.idx.msk $0xffff, v5  }
0x16: {  	v60 =	vld.idx.msk [tilespmem:v1+s19+$0xFFFFFFC0 ss:$0x1], $0xffff;
	[tilespmem:v0+s20+$0x20 ss:$0x1] =	vst.idx.msk $0xffff, v7  }
0x17: {  	v61 =	vld.idx.msk [tilespmem:v1+s19+$0xFFFFFFD0 ss:$0x1], $0xffff;
	[tilespmem:v0+s19+$0x30 ss:$0x1] =	vst.idx.msk $0xffff, v56  }
0x18: {  	v62 =	vld.idx.msk [tilespmem:v1+s19+$0xFFFFFFE0 ss:$0x1], $0xffff;
	s27 =	sand.u32 $0x78, s15;
	s21 =	sshll.u32 s17, $0xC;
	s28 =	sshll.u32 s17, $0x7;
	[tilespmem:v0+s19+$0xFFFFFFC0 ss:$0x1] =	vst.idx.msk $0xffff, v57  }
0x19: {  	v63 =	vld.idx.msk [tilespmem:v1+s19+$0xFFFFFFF0 ss:$0x1], $0xffff;
	s22 =	sshll.u32 s15, $0x3;
	s16 =	sshll.u32 s16, $0x13;
	s21 =	sand.u32 $0x3F8000, s21;
	[tilespmem:v0+s19+$0xFFFFFFD0 ss:$0x1] =	vst.idx.msk $0xffff, v58  }
0x1a: {  	s31 =	sand.u32 $0x7, s15;
	s17 =	sand.u32 $0x380, s28;
	s29 =	sadd.s32 s21, s22;
	[tilespmem:v0+s19+$0xFFFFFFE0 ss:$0x1] =	vst.idx.msk $0xffff, v59  }
0x1b: {  	s30 =	sand.u32 $0xC00, s22;
	s17 =	sor.u32 s17, s27;
	s20 =	sshrl.u32 s29, $0x3;
	[tilespmem:v0+s19+$0xFFFFFFF0 ss:$0x1] =	vst.idx.msk $0xffff, v60  }
0x1c: {  	s16 =	sadd.s32 s4, s16;
	s17 =	sor.u32 s30, s17;
	s20 =	sand.u32 $0x7FE00, s20;
	[tilespmem:v0+s19+$0x0 ss:$0x1] =	vst.idx.msk $0xffff, v61  }
0x1d: {  	s15 =	sshll.u32 s31, $0x12;
	s17 =	sshrl.u32 s17, $0x3;
	[tilespmem:v0+s19+$0x10 ss:$0x1] =	vst.idx.msk $0xffff, v62;
	s16 =	sadd.s32 s20, s16  }
0x1e: {  	s15 =	sor.u32 $0x400, s15;
	[tilespmem:v0+s19+$0x20 ss:$0x1] =	vst.idx.msk $0xffff, v63;
	s16 =	sadd.s32 s17, s16  }
0x1f: {  	[hbm4b:s16+s15] =	stream.strided.scatter [tilespmem:s18], [sflag:$0x2], $0x4000, s9, s15, $0x38;
	[tilespmem:$0x10000] =	vst v63  }
.LBB1_5:
0x20: {  	s18 =	sadd.s32 $0x200, s11  }
0x21: {  	s15 =	simm.s32 $0x1;
	p1 =	sgt.s32 s18, $0xFFF  }
0x22: {  	s15 =	simm.s32 @!p1 $0x0  }
0x23: {  	s19 =	sadd.s32 s15, s12  }
0x24: {  	s21 =	smov.u32 s13;
	s15 =	sadd.s32 $0x400, s13;
	p2 =	sgt.s32 s19, $0x13  }
0x25: {  	s21 =	smov.u32 @p2 s15  }
0x26: {  	p0 =	slt.u32 s14, $0x2;
	s18 =	smov.u32 @p1 s2;
	p1 =	sgt.s32 s21, $0x3FF  }
0x27: {  	s20 =	simm.s32 @!p0 $0x2;
	s21 =	smov.u32 @p1 s1;
	p1 =	sne.s32 s14, s8  }
.Ltmp1:
0x28: {  	_ =	swait.ge @!p0 [sflag:s20], $0x4000;
	(pc) =	sbr.rel @!p1 .LBB1_6-.Ltmp1, $4  }
0x29: {  	s16 =	smov.u32 s12;
	[sflag:s20] =	ssyncset.done @!p0 $0x0  }
0x2a: {  	s17 =	smov.u32 s13;
	s10 =	sadd.s32 $0x4000, s10;
	[sflag:s20] =	ssyncadd.s32 @!p0 $0xFFFFC000  }
0x2b: {  	s19 =	simm.s32 @p2 $0x0;
	s15 =	smov.u32 s11;
	s11 =	smov.u32 s18  }
0x2c: {  	s12 =	smov.u32 s19;
	s14 =	sadd.s32 $0x1, s14;
	s13 =	smov.u32 s21  }
.LBB1_1:
0x2d: {  	p0 =	sge.u32 s14, s6  }
0x2e: {  	s18 =	sshll.u32 @!p0 s12, $0xC  }
0x2f: {  	s19 =	sshll.u32 @!p0 s11, $0x3;
	s18 =	sand.u32 @!p0 $0xFFFF8000, s18  }
0x30: {  	s18 =	sadd.s32 @!p0 s18, s19  }
0x31: {  	s31 =	sadd.s32 $0xFFFFFFFF, s14;
	s22 =	sshll.u32 @!p0 s12, $0x7;
	s18 =	sshrl.u32 @!p0 s18, $0xC  }
0x32: {  	s23 =	sand.u32 @!p0 $0x78, s11;
	s22 =	sand.u32 @!p0 $0x380, s22;
	s21 =	smulhi.u32 @!p0 $0xAAAAAAB, s18  }
0x33: {  	s20 =	sxor.u32 @!p0 $0xFFFFFFFF, s14;
	s22 =	sor.u32 @!p0 s22, s23;
	s23 =	smul.u32 @!p0 $0x3000, s13  }
0x34: {  	s20 =	sshll.u32 @!p0 s20, $0xE;
	s19 =	sand.u32 @!p0 $0xC00, s19;
	s21 =	smul.u32 @!p0 $0x18, s21  }
0x35: {  	s20 =	sand.u32 @!p0 $0x4000, s20;
	s19 =	sor.u32 @!p0 s19, s22;
	s22 =	sand.u32 @!p0 $0x7, s11  }
0x36: {  	s19 =	sshrl.u32 @!p0 s19, $0x3;
	s18 =	ssub.s32 @!p0 s18, s21;
	s21 =	sadd.s32 @!p0 s7, s23  }
0x37: {  	s18 =	sshll.u32 @!p0 s18, $0x9;
	s19 =	sadd.s32 @!p0 s19, s21;
	s21 =	sshll.u32 @!p0 s22, $0x12  }
0x38: {  	s18 =	sadd.s32 @!p0 s18, s19;
	s19 =	sor.u32 @!p0 $0x80, s21;
	s21 =	simm.s32 @!p0 $0x18000  }
0x39: {  	[tilespmem:s20], [sflag:$0x1] =	stream.strided.gather @!p0 [hbm4b:s18+s19], $0x4000, s21, s19, $0x38;
	[tilespmem:$0x10000] =	vst v63  }
0x3a: {  	p0 =	sge.u32 s31, s6  }
.Ltmp2:
0x3b: {  	_ = 	snop;
	(pc) =	sbr.rel @p0 .LBB1_5-.Ltmp2, $1  }
0x3c: {  	_ =	sdelay $0x3  }
0x3d: {  	s18 =	sand.u32 $0x4000, s10  }
0x3e: {  	s19 =	sor.u32 $0x70, s18  }
0x3f: {  	v1 =	vmov s19;
	_ =	sdelay $0x1  }
0x40: {  	_ =	swait.ge [sflag:s5], $0x4000  }
0x41: {  	[sflag:s5] =	ssyncset.done $0x0  }
0x42: {  	s20 =	simm.s32 $0x0;
	[sflag:s5] =	ssyncadd.s32 $0xFFFFC000  }
0x43: {  	s18 =	sor.u32 $0x8040, s18;
	v7 =	vld.idx.msk [tilespmem:v1+s20+$0x0 ss:$0x1], $0xffff  }
0x44: {  	v0 =	vmov s18;
	v8 =	vld.idx.msk [tilespmem:v1+s20+$0xFFFFFF90 ss:$0x1], $0xffff  }
0x45: {  	v6 =	vld.idx.msk [tilespmem:v1+s20+$0xFFFFFFA0 ss:$0x1], $0xffff  }
0x46: {  	v4 =	vld.idx.msk [tilespmem:v1+s20+$0xFFFFFFB0 ss:$0x1], $0xffff  }
0x47: {  	v2 =	vld.idx.msk [tilespmem:v1+s20+$0xFFFFFFC0 ss:$0x1], $0xffff  }
0x48: {  	s31 =	sshll.u32 s14, $0xE;
	v3 =	vld.idx.msk [tilespmem:v1+s20+$0xFFFFFFD0 ss:$0x1], $0xffff  }
0x49: {  	s18 =	sand.u32 $0x4000, s31;
	v5 =	vld.idx.msk [tilespmem:v1+s20+$0xFFFFFFE0 ss:$0x1], $0xffff;
	[tilespmem:v0+s20+$0x30 ss:$0x1] =	vst.idx.msk $0xffff, v7  }
0x4a: {  	s21 =	simm.s32 $0x400;
	s19 =	simm.s32 $0x80;
	s18 =	sor.u32 $0x8000, s18;
	[tilespmem:v0+s20+$0xFFFFFFC0 ss:$0x1] =	vst.idx.msk $0xffff, v8;
	v7 =	vld.idx.msk [tilespmem:v1+s20+$0xFFFFFFF0 ss:$0x1], $0xffff  }
.LBB1_3:
0x4b: {  	p0 =	sne.s32 s21, $0xFE00;
	v8 =	vld.idx.msk [tilespmem:v1+s19+$0x0 ss:$0x1], $0xffff;
	[tilespmem:v0+s20+$0xFFFFFFD0 ss:$0x1] =	vst.idx.msk $0xffff, v6  }
0x4c: {  	v9 =	vld.idx.msk [tilespmem:v1+s19+$0xFFFFFF90 ss:$0x1], $0xffff;
	[tilespmem:v0+s20+$0xFFFFFFE0 ss:$0x1] =	vst.idx.msk $0xffff, v4  }
0x4d: {  	v6 =	vld.idx.msk [tilespmem:v1+s19+$0xFFFFFFA0 ss:$0x1], $0xffff;
	[tilespmem:v0+s20+$0xFFFFFFF0 ss:$0x1] =	vst.idx.msk $0xffff, v2  }
.Ltmp3:
0x4e: {  	v4 =	vld.idx.msk [tilespmem:v1+s19+$0xFFFFFFB0 ss:$0x1], $0xffff;
	[tilespmem:v0+s20+$0x0 ss:$0x1] =	vst.idx.msk $0xffff, v3;
	(pc) =	sbr.rel @p0 .LBB1_3-.Ltmp3, $4  }
0x4f: {  	v2 =	vld.idx.msk [tilespmem:v1+s19+$0xFFFFFFC0 ss:$0x1], $0xffff;
	[tilespmem:v0+s20+$0x10 ss:$0x1] =	vst.idx.msk $0xffff, v5  }
0x50: {  	v3 =	vld.idx.msk [tilespmem:v1+s19+$0xFFFFFFD0 ss:$0x1], $0xffff;
	[tilespmem:v0+s20+$0x20 ss:$0x1] =	vst.idx.msk $0xffff, v7;
	s20 =	smov.u32 s19  }
0x51: {  	v5 =	vld.idx.msk [tilespmem:v1+s20+$0xFFFFFFE0 ss:$0x1], $0xffff;
	[tilespmem:v0+s20+$0x30 ss:$0x1] =	vst.idx.msk $0xffff, v8  }
0x52: {  	s19 =	sshra.s32 s21, $0x2;
	s21 =	sadd.s32 $0x200, s21;
	[tilespmem:v0+s20+$0xFFFFFFC0 ss:$0x1] =	vst.idx.msk $0xffff, v9;
	v7 =	vld.idx.msk [tilespmem:v1+s20+$0xFFFFFFF0 ss:$0x1], $0xffff  }
.Ltmp4:
0x53: {  	_ = 	snop;
	(pc) =	sbr.rel .LBB1_4-.Ltmp4, $1  }
0x54: {  	_ =	sdelay $0x3  }
.LBB1_6:
0x55: {  	_ =	sfence.sel $0x180000  }
0x56: {  	s1 =	simm.s32 $0x1;
	[bflag:$0x0] =	sbarrier.arrive $0xFFFF  }
0x57: {  	s31 =	simm.s32 $0x2;
	[sflag:s1] =	ssyncpa.u1 $0x1  }
0x58: {  	[sflag:s31] =	ssyncpa.u1 $0x1  }
0x59: {  	p0 =	sne.s32 s0, $0x0;
	_ =	strace $0x9000004A  }
0x5a: {  	s0 =	sadd.s32 @!p0 $0x100000, s3;
	[bflag:$0x2] =	sbarrier.arrive $0xFFFF  }
0x5b: {  	[sflag:s0] =	ssyncadd.tile.s32 @!p0 $0x1;
	_ =	shalt  }
.Lfunc_end1:
_tile_overlayer_lowered:
.L_overlay_start_2:
0x5c: {  	(tag) =	ssettag $0x2  }
0x5d: {  	s0 =	rddreg [dreg:$0x0];
	s2 =	stileid.u32  }
0x5e: {  	s1 =	rddreg [dreg:$0x1];
	p0 =	sne.s32 s2, $0x0  }
0x5f: {  	s3 =	rddreg [dreg:$0x2];
	[bflag:$0x3] =	sbarrier.arrive $0xFFFF;
	s2 =	simm.s32 @!p0 $0x1C01  }
0x60: {  	[timem:s3], [sflag:s2] =	dma.local @!p0 [hbm:s0], s1  }
0x61: {  	s0 =	simm.s32 @!p0 $0x1  }
0x62: {  	_ =	swait.ge @!p0 [sflag:s0], s1  }
0x63: {  	s1 =	ssub.s32 @!p0 $0x0, s1;
	[sflag:s0] =	ssyncset.done @!p0 $0x0  }
0x64: {  	[sflag:s0] =	ssyncadd.s32 @!p0 s1  }
0x65: {  	[bflag:$0x3] =	sbarrier.arrive $0xFFFF  }
0x66: {  	_ =	shalt  }

</sc_bundles>
